<compile_context>
chip_gen: v7x
topology: tpu7x:2x2x1
jax: 0.10.2.dev20260603
libtpu: 0.0.44.dev20260713+nightly
codegen_flags: <defaults>
</compile_context>

<pallas_src>
import functools

import jax
import jax.numpy as jnp
from jax import lax
from jax.experimental import pallas as pl
from jax.experimental.pallas import tpu as pltpu
from jax.experimental.pallas import tpu_sc as plsc

N = 4096
D = 256
K = 2048
NW = N // 2
NSLAB = NW // 128

_PK_ROWS = 256
_PK_CHUNK = 256


def _binpack_body(g_ref, b32_ref):
    for wc in range(NW // _PK_CHUNK):
        lo = (g_ref[:, pl.ds(wc * _PK_CHUNK, _PK_CHUNK)] != 0.0)
        hi = (g_ref[:, pl.ds(NW + wc * _PK_CHUNK, _PK_CHUNK)] != 0.0)
        w = (lo.astype(jnp.float32)
             + 65536.0 * hi.astype(jnp.float32)).astype(jnp.int32)
        for s in range(_PK_CHUNK // 128):
            b32_ref[:, wc * (_PK_CHUNK // 128) + s, :] = (
                w[:, s * 128:(s + 1) * 128])


def _binpack(g):
    return pl.pallas_call(
        _binpack_body,
        grid=(N // _PK_ROWS,),
        in_specs=[pl.BlockSpec((_PK_ROWS, N), lambda i: (i, 0))],
        out_specs=pl.BlockSpec((_PK_ROWS, NSLAB, 128), lambda i: (i, 0, 0)),
        out_shape=jax.ShapeDtypeStruct((N, NSLAB, 128), jnp.int32),
    )(g)


_TP_ROWS = 256


def _transpack_body(g_ref, bt32_ref):
    for wc in range(NW // _PK_CHUNK):
        tlo = (g_ref[pl.ds(wc * _PK_CHUNK, _PK_CHUNK), :] != 0.0)
        thi = (g_ref[pl.ds(NW + wc * _PK_CHUNK, _PK_CHUNK), :] != 0.0)
        w = (tlo.astype(jnp.float32).T
             + 65536.0 * thi.astype(jnp.float32).T).astype(jnp.int32)
        for s in range(_PK_CHUNK // 128):
            bt32_ref[:, wc * (_PK_CHUNK // 128) + s, :] = (
                w[:, s * 128:(s + 1) * 128])


def _transpack(g):
    return pl.pallas_call(
        _transpack_body,
        grid=(N // _TP_ROWS,),
        in_specs=[pl.BlockSpec((N, _TP_ROWS), lambda i: (0, i))],
        out_specs=pl.BlockSpec((_TP_ROWS, NSLAB, 128), lambda i: (i, 0, 0)),
        out_shape=jax.ShapeDtypeStruct((N, NSLAB, 128), jnp.int32),
    )(g)


_RANK_ROWS = 128
_RANK_CHUNK = 512


def _rank_body(scol_ref, srow_ref, rank_ref):
    pid = pl.program_id(0)
    scol = scol_ref[...]
    gidx = (jax.lax.broadcasted_iota(jnp.int32, (_RANK_ROWS, 1), 0)
            + pid * _RANK_ROWS)

    def body(kc, acc):
        srow = srow_ref[:, pl.ds(kc * _RANK_CHUNK, _RANK_CHUNK)]
        jidx = (jax.lax.broadcasted_iota(jnp.int32, (1, _RANK_CHUNK), 1)
                + kc * _RANK_CHUNK)
        beat = (srow > scol) | ((srow == scol) & (jidx < gidx))
        return acc + jnp.sum(beat.astype(jnp.float32), axis=1, keepdims=True)

    cnt = jax.lax.fori_loop(0, N // _RANK_CHUNK, body,
                            jnp.zeros((_RANK_ROWS, 1), jnp.float32))
    rank_ref[...] = cnt.astype(jnp.int32)


def _ranks(scores_col, scores_row):
    return pl.pallas_call(
        _rank_body,
        grid=(N // _RANK_ROWS,),
        in_specs=[
            pl.BlockSpec((_RANK_ROWS, 1), lambda i: (i, 0)),
            pl.BlockSpec((1, N), lambda i: (0, 0)),
        ],
        out_specs=pl.BlockSpec((_RANK_ROWS, 1), lambda i: (i, 0)),
        out_shape=jax.ShapeDtypeStruct((N, 1), jnp.int32),
    )(scores_col, scores_row)


_INV_ROWS = 128
_INV_CHUNK = 512


def _invert_body(rank_ref, srow_ref, idx_ref, val_ref):
    pid = pl.program_id(0)
    pcol = (jax.lax.broadcasted_iota(jnp.int32, (_INV_ROWS, 1), 0)
            + pid * _INV_ROWS)

    def body(kc, carry):
        idx_acc, val_acc = carry
        rr = rank_ref[:, pl.ds(kc * _INV_CHUNK, _INV_CHUNK)]
        ss = srow_ref[:, pl.ds(kc * _INV_CHUNK, _INV_CHUNK)]
        jidx = (jax.lax.broadcasted_iota(jnp.int32, (1, _INV_CHUNK), 1)
                + kc * _INV_CHUNK)
        hit = rr == pcol
        idx_acc = idx_acc + jnp.sum(
            jnp.where(hit, jidx, 0), axis=1, keepdims=True)
        val_acc = val_acc + jnp.sum(
            jnp.where(hit, ss, 0.0), axis=1, keepdims=True)
        return idx_acc, val_acc

    idx_acc, val_acc = jax.lax.fori_loop(
        0, N // _INV_CHUNK, body,
        (jnp.zeros((_INV_ROWS, 1), jnp.int32),
         jnp.zeros((_INV_ROWS, 1), jnp.float32)))
    idx_ref[...] = idx_acc
    val_ref[...] = val_acc


def _invert(rank_row, scores_row):
    return pl.pallas_call(
        _invert_body,
        grid=(K // _INV_ROWS,),
        in_specs=[
            pl.BlockSpec((1, N), lambda i: (0, 0)),
            pl.BlockSpec((1, N), lambda i: (0, 0)),
        ],
        out_specs=[
            pl.BlockSpec((_INV_ROWS, 1), lambda i: (i, 0)),
            pl.BlockSpec((_INV_ROWS, 1), lambda i: (i, 0)),
        ],
        out_shape=[
            jax.ShapeDtypeStruct((K, 1), jnp.int32),
            jax.ShapeDtypeStruct((K, 1), jnp.float32),
        ],
    )(rank_row, scores_row)


_SC_ROWS_PER_W = K // 32
_SC_CHUNK = 32


def _sc_gather(idx, b32, bt32):
    mesh = plsc.VectorSubcoreMesh(core_axis_name="c", subcore_axis_name="s")

    @functools.partial(
        pl.kernel,
        out_type=[
            jax.ShapeDtypeStruct((K, NSLAB, 128), jnp.int32),
            jax.ShapeDtypeStruct((K, NSLAB, 128), jnp.int32),
        ],
        mesh=mesh,
        scratch_types=[
            pltpu.VMEM((_SC_CHUNK,), jnp.int32),
            pltpu.VMEM((_SC_CHUNK, NSLAB, 128), jnp.int32),
            pltpu.SemaphoreType.DMA,
        ],
    )
    def gather(idx_hbm, b_hbm, bt_hbm, a_hbm, r_hbm, idx_v, rows_v, sem):
        wid = lax.axis_index("s") * 2 + lax.axis_index("c")
        base0 = wid * _SC_ROWS_PER_W
        for c in range(_SC_ROWS_PER_W // _SC_CHUNK):
            base = base0 + c * _SC_CHUNK
            pltpu.sync_copy(idx_hbm.at[pl.ds(base, _SC_CHUNK)], idx_v)
            pltpu.async_copy(b_hbm.at[idx_v], rows_v, sem).wait()
            pltpu.sync_copy(rows_v, a_hbm.at[pl.ds(base, _SC_CHUNK)])
            pltpu.async_copy(bt_hbm.at[idx_v], rows_v, sem).wait()
            pltpu.sync_copy(rows_v, r_hbm.at[pl.ds(base, _SC_CHUNK)])

    return gather(idx, b32, bt32)


_NH_BP = 512
_NH_BK = 512


def _newh_body(rank_ref, h_ref, val_ref, out_ref):
    p, kc = pl.program_id(0), pl.program_id(1)
    pcol = (jax.lax.broadcasted_iota(jnp.int32, (_NH_BP, 1), 0) + p * _NH_BP)
    rr = rank_ref[...]
    oh = (rr == pcol).astype(jnp.float32)
    acc = jax.lax.dot_general(
        oh, h_ref[...], dimension_numbers=(((1,), (0,)), ((), ())),
        precision=jax.lax.Precision.HIGHEST,
        preferred_element_type=jnp.float32)

    @pl.when(kc == 0)
    def _():
        out_ref[...] = jnp.zeros_like(out_ref)

    @pl.when(kc < pl.num_programs(1) - 1)
    def _():
        out_ref[...] += acc

    @pl.when(kc == pl.num_programs(1) - 1)
    def _():
        out_ref[...] = (out_ref[...] + acc) * val_ref[...]


def _newh(rank_row, h, val2d):
    return pl.pallas_call(
        _newh_body,
        grid=(K // _NH_BP, N // _NH_BK),
        in_specs=[
            pl.BlockSpec((1, _NH_BK), lambda p, kc: (0, kc)),
            pl.BlockSpec((_NH_BK, D), lambda p, kc: (kc, 0)),
            pl.BlockSpec((_NH_BP, 1), lambda p, kc: (p, 0)),
        ],
        out_specs=pl.BlockSpec((_NH_BP, D), lambda p, kc: (p, 0)),
        out_shape=jax.ShapeDtypeStruct((K, D), jnp.float32),
    )(rank_row, h, val2d)


_MM_BP = 512
_MM_BQ = 512
_MM_SLABS = 8


def _mm_unpack(w):
    lo = (w & 65535).astype(jnp.bfloat16)
    hi = (w >> 16).astype(jnp.bfloat16)
    return jnp.concatenate([lo, hi], axis=1)


def _matmul_body(a_ref, r_ref, cnt_ref):
    ki = pl.program_id(2)

    @pl.when(ki == 0)
    def _():
        cnt_ref[...] = jnp.zeros_like(cnt_ref)

    for s in range(_MM_SLABS):
        ab = _mm_unpack(a_ref[:, s, :])
        rb = _mm_unpack(r_ref[:, s, :])
        acc = jax.lax.dot_general(
            ab, rb, dimension_numbers=(((1,), (1,)), ((), ())),
            preferred_element_type=jnp.float32)
        cnt_ref[...] += acc.astype(jnp.bfloat16)


def _matmul(a32, r32):
    return pl.pallas_call(
        _matmul_body,
        grid=(K // _MM_BP, K // _MM_BQ, NSLAB // _MM_SLABS),
        in_specs=[
            pl.BlockSpec((_MM_BP, _MM_SLABS, 128), lambda p, q, k: (p, k, 0)),
            pl.BlockSpec((_MM_BQ, _MM_SLABS, 128), lambda p, q, k: (q, k, 0)),
        ],
        out_specs=pl.BlockSpec((_MM_BP, _MM_BQ), lambda p, q, k: (p, q)),
        out_shape=jax.ShapeDtypeStruct((K, K), jnp.bfloat16),
    )(a32, r32)


_NORM_ROWS = 256
_NORM_CHUNK = 512


def _norm_body(cnt_ref, out_ref):
    nchunks = K // _NORM_CHUNK

    def degbody(kc, acc):
        c = cnt_ref[:, pl.ds(kc * _NORM_CHUNK, _NORM_CHUNK)]
        un = (c > 0).astype(jnp.float32)
        return acc + jnp.sum(un, axis=1, keepdims=True)

    deg = jax.lax.fori_loop(0, nchunks, degbody,
                            jnp.zeros((_NORM_ROWS, 1), jnp.float32))
    recip = 1.0 / deg

    def outbody(kc, _):
        c = cnt_ref[:, pl.ds(kc * _NORM_CHUNK, _NORM_CHUNK)]
        un = (c > 0).astype(jnp.float32)
        out_ref[:, pl.ds(kc * _NORM_CHUNK, _NORM_CHUNK)] = un * recip
        return 0

    jax.lax.fori_loop(0, nchunks, outbody, 0)


def _normalize(cnt):
    return pl.pallas_call(
        _norm_body,
        grid=(K // _NORM_ROWS,),
        in_specs=[pl.BlockSpec((_NORM_ROWS, K), lambda i: (i, 0))],
        out_specs=pl.BlockSpec((_NORM_ROWS, K), lambda i: (i, 0)),
        out_shape=jax.ShapeDtypeStruct((K, K), jnp.float32),
    )(cnt)




@jax.jit
def kernel(g, h, W, b):
    weights = jnp.squeeze(h @ W + b, axis=-1)
    scores = jax.nn.sigmoid(weights)

    scores_row = scores.reshape(1, N)
    scores_col = scores.reshape(N, 1)

    b32 = _binpack(g)
    bt32 = _transpack(g)
    rank = _ranks(scores_col, scores_row)
    rank_row = rank.reshape(1, N)
    idx2d, val2d = _invert(rank_row, scores_row)
    idx = idx2d.reshape(K)
    a32, r32 = _sc_gather(idx, b32, bt32)
    new_h = _newh(rank_row, h, val2d)
    cnt = _matmul(a32, r32)
    g_out = _normalize(cnt)
    return (g_out, new_h, idx)

# --- scband reference (transcript-rebuilt; emitter-appended) ---
"""Pipeline reference for scband-pool-55594056680086 (READ-ONLY COPY).

The authoritative reference and input builder live on the scoring server;
editing this copy changes nothing except your own understanding.
"""

import jax, jax.numpy as jnp
import numpy as np

N = 4096
D = 256
K_RATIO = 0.5
K_VAL = max(2, int(K_RATIO * N))


def setup_inputs(seed: int = 0) -> dict:
    key = jax.random.key(seed)
    k1, k2, k3, k4 = jax.random.split(key, 4)
    g = jax.random.uniform(k1, (N, N), dtype=jnp.float32)
    h = jax.random.normal(k2, (N, D), dtype=jnp.float32)
    # learned params of the Dense(1) projection
    W = jax.random.normal(k3, (D, 1), dtype=jnp.float32) * (1.0 / np.sqrt(D))
    b = jnp.zeros((1,), dtype=jnp.float32)
    return {"g": g, "h": h, "W": W, "b": b}


def norm_g(g):
    degrees = jnp.sum(g, axis=1, keepdims=True)
    return g / degrees


def reference(g, h, W, b):
    # dropout with drop_p=0.0 / inference mode -> identity
    Z = h
    weights = jnp.squeeze(Z @ W + b, axis=-1)
    scores = jax.nn.sigmoid(weights)
    values, idx = jax.lax.top_k(scores, K_VAL)
    new_h = jnp.take(h, idx, axis=0)
    values = values[:, None]
    new_h = new_h * values
    un_g = (g != 0).astype(jnp.float32)
    un_g = ((un_g @ un_g) > 0).astype(jnp.float32)
    un_g = jnp.take(un_g, idx, axis=0)
    un_g = jnp.take(un_g, idx, axis=1)
    g_out = norm_g(un_g)
    return (g_out, new_h, idx)

if __name__ == "__main__":
    import jax
    _d = setup_inputs()
    print(jax.jit(kernel)(*tuple(_d.values())))

</pallas_src>

<mosaic_0001>
#map = affine_map<(d0, d1) -> (0)>
#map1 = affine_map<(d0, d1) -> (0, 0, 0)>
module attributes {stable_mosaic.version = 14 : i64} {
  func.func @gather(%arg0: i32, %arg1: i32, %arg2: memref<2048xi32, #tpu.memory_space<hbm>>, %arg3: memref<4096x16x128xi32, #tpu.memory_space<hbm>>, %arg4: memref<4096x16x128xi32, #tpu.memory_space<hbm>>, %arg5: memref<2048x16x128xi32, #tpu.memory_space<hbm>>, %arg6: memref<2048x16x128xi32, #tpu.memory_space<hbm>>, %arg7: memref<32xi32, #tpu.memory_space<vmem>>, %arg8: memref<32x16x128xi32, #tpu.memory_space<vmem>>, %arg9: memref<!tpu.dma_semaphore, #tpu.memory_space<semaphore_mem>>) attributes {dimension_semantics = [#tpu.dimension_semantics<core_parallel>, #tpu.dimension_semantics<subcore_parallel>], iteration_bounds = array<i64: 2, 16>, scalar_prefetch = 0 : i64, scratch_operands = 3 : i64, tpu.core_type = #tpu.core_type<sc_vector_subcore>, window_params = [{transform_indices = #map}, {transform_indices = #map1}, {transform_indices = #map1}, {transform_indices = #map1}, {transform_indices = #map1}]} {
    %mul3A = arith.constant 2 : i32
    %mul3A_0 = arith.muli %arg1, %mul3A : i32
    %add3A = arith.addi %mul3A_0, %arg0 : i32
    %mul3A_1 = arith.constant 64 : i32
    %mul3A_2 = arith.muli %add3A, %mul3A_1 : i32
    %add3A_3 = arith.constant 0 : i32
    %add3A_4 = arith.addi %mul3A_2, %add3A_3 : i32
    "tpu.region"() ({
      %run_scoped3A = tpu.sem_alloc : memref<!tpu.dma_semaphore, #tpu.memory_space<semaphore_mem>>
      %dma_start3A_37 = tpu.memref_slice %arg2[%add3A_4] : memref<2048xi32, #tpu.memory_space<hbm>> -> memref<32xi32, #tpu.memory_space<hbm>>
      %dma_start3A_38 = tpu.memref_slice %arg2[%add3A_4] : memref<2048xi32, #tpu.memory_space<hbm>> -> memref<32xi32, #tpu.memory_space<hbm>>
      tpu.enqueue_dma source(%dma_start3A_38 : memref<32xi32, #tpu.memory_space<hbm>>) target(%arg7 : memref<32xi32, #tpu.memory_space<vmem>>) target_semaphore(%run_scoped3A : memref<!tpu.dma_semaphore, #tpu.memory_space<semaphore_mem>>)
      %dma_wait3A_39 = tpu.memref_slice %arg2[%add3A_4] : memref<2048xi32, #tpu.memory_space<hbm>> -> memref<32xi32, #tpu.memory_space<hbm>>
      %dma_wait3A_40 = tpu.memref_slice %arg2[%add3A_4] : memref<2048xi32, #tpu.memory_space<hbm>> -> memref<32xi32, #tpu.memory_space<hbm>>
      tpu.wait_dma2 semaphore(%run_scoped3A : memref<!tpu.dma_semaphore, #tpu.memory_space<semaphore_mem>>) src(%dma_wait3A_40 : memref<32xi32, #tpu.memory_space<hbm>>) dst(%arg7 : memref<32xi32, #tpu.memory_space<vmem>>)
      tpu.yield
    }) : () -> ()
    %dma_start3A = arith.constant 0 : i32
    %dma_start3A_5 = arith.constant 0 : i32
    %dma_start3A_6 = arith.constant 0 : i32
    %dma_start3A_7 = tpu.memref_slice %arg3[%dma_start3A, %dma_start3A_5, %dma_start3A_6] : memref<4096x16x128xi32, #tpu.memory_space<hbm>> -> memref<4096x16x128xi32, #tpu.memory_space<hbm>>
    tpu.enqueue_indirect_dma source(%dma_start3A_7 : memref<4096x16x128xi32, #tpu.memory_space<hbm>>) target(%arg8 : memref<32x16x128xi32, #tpu.memory_space<vmem>>) offsets(%arg7 : memref<32xi32, #tpu.memory_space<vmem>>) semaphore(%arg9 : memref<!tpu.dma_semaphore, #tpu.memory_space<semaphore_mem>>)
    %dma_wait3A = arith.constant 0 : i32
    %dma_wait3A_8 = arith.constant 0 : i32
    %dma_wait3A_9 = arith.constant 0 : i32
    %dma_wait3A_10 = tpu.memref_slice %arg3[%dma_wait3A, %dma_wait3A_8, %dma_wait3A_9] : memref<4096x16x128xi32, #tpu.memory_space<hbm>> -> memref<4096x16x128xi32, #tpu.memory_space<hbm>>
    tpu.wait_indirect_dma semaphore(%arg9 : memref<!tpu.dma_semaphore, #tpu.memory_space<semaphore_mem>>) src(%dma_wait3A_10 : memref<4096x16x128xi32, #tpu.memory_space<hbm>>) dst(%arg8 : memref<32x16x128xi32, #tpu.memory_space<vmem>>)
    "tpu.region"() ({
      %run_scoped3A = tpu.sem_alloc : memref<!tpu.dma_semaphore, #tpu.memory_space<semaphore_mem>>
      %dma_start3A_37 = arith.constant 0 : i32
      %dma_start3A_38 = arith.constant 0 : i32
      %dma_start3A_39 = tpu.memref_slice %arg5[%add3A_4, %dma_start3A_37, %dma_start3A_38] : memref<2048x16x128xi32, #tpu.memory_space<hbm>> -> memref<32x16x128xi32, #tpu.memory_space<hbm>>
      %dma_start3A_40 = arith.constant 0 : i32
      %dma_start3A_41 = arith.constant 0 : i32
      %dma_start3A_42 = tpu.memref_slice %arg5[%add3A_4, %dma_start3A_40, %dma_start3A_41] : memref<2048x16x128xi32, #tpu.memory_space<hbm>> -> memref<32x16x128xi32, #tpu.memory_space<hbm>>
      tpu.enqueue_dma source(%arg8 : memref<32x16x128xi32, #tpu.memory_space<vmem>>) target(%dma_start3A_42 : memref<32x16x128xi32, #tpu.memory_space<hbm>>) target_semaphore(%run_scoped3A : memref<!tpu.dma_semaphore, #tpu.memory_space<semaphore_mem>>)
      %dma_wait3A_43 = arith.constant 0 : i32
      %dma_wait3A_44 = arith.constant 0 : i32
      %dma_wait3A_45 = tpu.memref_slice %arg5[%add3A_4, %dma_wait3A_43, %dma_wait3A_44] : memref<2048x16x128xi32, #tpu.memory_space<hbm>> -> memref<32x16x128xi32, #tpu.memory_space<hbm>>
      %dma_wait3A_46 = arith.constant 0 : i32
      %dma_wait3A_47 = arith.constant 0 : i32
      %dma_wait3A_48 = tpu.memref_slice %arg5[%add3A_4, %dma_wait3A_46, %dma_wait3A_47] : memref<2048x16x128xi32, #tpu.memory_space<hbm>> -> memref<32x16x128xi32, #tpu.memory_space<hbm>>
      tpu.wait_dma2 semaphore(%run_scoped3A : memref<!tpu.dma_semaphore, #tpu.memory_space<semaphore_mem>>) src(%arg8 : memref<32x16x128xi32, #tpu.memory_space<vmem>>) dst(%dma_wait3A_48 : memref<32x16x128xi32, #tpu.memory_space<hbm>>)
      tpu.yield
    }) : () -> ()
    %dma_start3A_11 = arith.constant 0 : i32
    %dma_start3A_12 = arith.constant 0 : i32
    %dma_start3A_13 = arith.constant 0 : i32
    %dma_start3A_14 = tpu.memref_slice %arg4[%dma_start3A_11, %dma_start3A_12, %dma_start3A_13] : memref<4096x16x128xi32, #tpu.memory_space<hbm>> -> memref<4096x16x128xi32, #tpu.memory_space<hbm>>
    tpu.enqueue_indirect_dma source(%dma_start3A_14 : memref<4096x16x128xi32, #tpu.memory_space<hbm>>) target(%arg8 : memref<32x16x128xi32, #tpu.memory_space<vmem>>) offsets(%arg7 : memref<32xi32, #tpu.memory_space<vmem>>) semaphore(%arg9 : memref<!tpu.dma_semaphore, #tpu.memory_space<semaphore_mem>>)
    %dma_wait3A_15 = arith.constant 0 : i32
    %dma_wait3A_16 = arith.constant 0 : i32
    %dma_wait3A_17 = arith.constant 0 : i32
    %dma_wait3A_18 = tpu.memref_slice %arg4[%dma_wait3A_15, %dma_wait3A_16, %dma_wait3A_17] : memref<4096x16x128xi32, #tpu.memory_space<hbm>> -> memref<4096x16x128xi32, #tpu.memory_space<hbm>>
    tpu.wait_indirect_dma semaphore(%arg9 : memref<!tpu.dma_semaphore, #tpu.memory_space<semaphore_mem>>) src(%dma_wait3A_18 : memref<4096x16x128xi32, #tpu.memory_space<hbm>>) dst(%arg8 : memref<32x16x128xi32, #tpu.memory_space<vmem>>)
    "tpu.region"() ({
      %run_scoped3A = tpu.sem_alloc : memref<!tpu.dma_semaphore, #tpu.memory_space<semaphore_mem>>
      %dma_start3A_37 = arith.constant 0 : i32
      %dma_start3A_38 = arith.constant 0 : i32
      %dma_start3A_39 = tpu.memref_slice %arg6[%add3A_4, %dma_start3A_37, %dma_start3A_38] : memref<2048x16x128xi32, #tpu.memory_space<hbm>> -> memref<32x16x128xi32, #tpu.memory_space<hbm>>
      %dma_start3A_40 = arith.constant 0 : i32
      %dma_start3A_41 = arith.constant 0 : i32
      %dma_start3A_42 = tpu.memref_slice %arg6[%add3A_4, %dma_start3A_40, %dma_start3A_41] : memref<2048x16x128xi32, #tpu.memory_space<hbm>> -> memref<32x16x128xi32, #tpu.memory_space<hbm>>
      tpu.enqueue_dma source(%arg8 : memref<32x16x128xi32, #tpu.memory_space<vmem>>) target(%dma_start3A_42 : memref<32x16x128xi32, #tpu.memory_space<hbm>>) target_semaphore(%run_scoped3A : memref<!tpu.dma_semaphore, #tpu.memory_space<semaphore_mem>>)
      %dma_wait3A_43 = arith.constant 0 : i32
      %dma_wait3A_44 = arith.constant 0 : i32
      %dma_wait3A_45 = tpu.memref_slice %arg6[%add3A_4, %dma_wait3A_43, %dma_wait3A_44] : memref<2048x16x128xi32, #tpu.memory_space<hbm>> -> memref<32x16x128xi32, #tpu.memory_space<hbm>>
      %dma_wait3A_46 = arith.constant 0 : i32
      %dma_wait3A_47 = arith.constant 0 : i32
      %dma_wait3A_48 = tpu.memref_slice %arg6[%add3A_4, %dma_wait3A_46, %dma_wait3A_47] : memref<2048x16x128xi32, #tpu.memory_space<hbm>> -> memref<32x16x128xi32, #tpu.memory_space<hbm>>
      tpu.wait_dma2 semaphore(%run_scoped3A : memref<!tpu.dma_semaphore, #tpu.memory_space<semaphore_mem>>) src(%arg8 : memref<32x16x128xi32, #tpu.memory_space<vmem>>) dst(%dma_wait3A_48 : memref<32x16x128xi32, #tpu.memory_space<hbm>>)
      tpu.yield
    }) : () -> ()
    %add3A_19 = arith.constant 32 : i32
    %add3A_20 = arith.addi %mul3A_2, %add3A_19 : i32
    "tpu.region"() ({
      %run_scoped3A = tpu.sem_alloc : memref<!tpu.dma_semaphore, #tpu.memory_space<semaphore_mem>>
      %dma_start3A_37 = tpu.memref_slice %arg2[%add3A_20] : memref<2048xi32, #tpu.memory_space<hbm>> -> memref<32xi32, #tpu.memory_space<hbm>>
      %dma_start3A_38 = tpu.memref_slice %arg2[%add3A_20] : memref<2048xi32, #tpu.memory_space<hbm>> -> memref<32xi32, #tpu.memory_space<hbm>>
      tpu.enqueue_dma source(%dma_start3A_38 : memref<32xi32, #tpu.memory_space<hbm>>) target(%arg7 : memref<32xi32, #tpu.memory_space<vmem>>) target_semaphore(%run_scoped3A : memref<!tpu.dma_semaphore, #tpu.memory_space<semaphore_mem>>)
      %dma_wait3A_39 = tpu.memref_slice %arg2[%add3A_20] : memref<2048xi32, #tpu.memory_space<hbm>> -> memref<32xi32, #tpu.memory_space<hbm>>
      %dma_wait3A_40 = tpu.memref_slice %arg2[%add3A_20] : memref<2048xi32, #tpu.memory_space<hbm>> -> memref<32xi32, #tpu.memory_space<hbm>>
      tpu.wait_dma2 semaphore(%run_scoped3A : memref<!tpu.dma_semaphore, #tpu.memory_space<semaphore_mem>>) src(%dma_wait3A_40 : memref<32xi32, #tpu.memory_space<hbm>>) dst(%arg7 : memref<32xi32, #tpu.memory_space<vmem>>)
      tpu.yield
    }) : () -> ()
    %dma_start3A_21 = arith.constant 0 : i32
    %dma_start3A_22 = arith.constant 0 : i32
    %dma_start3A_23 = arith.constant 0 : i32
    %dma_start3A_24 = tpu.memref_slice %arg3[%dma_start3A_21, %dma_start3A_22, %dma_start3A_23] : memref<4096x16x128xi32, #tpu.memory_space<hbm>> -> memref<4096x16x128xi32, #tpu.memory_space<hbm>>
    tpu.enqueue_indirect_dma source(%dma_start3A_24 : memref<4096x16x128xi32, #tpu.memory_space<hbm>>) target(%arg8 : memref<32x16x128xi32, #tpu.memory_space<vmem>>) offsets(%arg7 : memref<32xi32, #tpu.memory_space<vmem>>) semaphore(%arg9 : memref<!tpu.dma_semaphore, #tpu.memory_space<semaphore_mem>>)
    %dma_wait3A_25 = arith.constant 0 : i32
    %dma_wait3A_26 = arith.constant 0 : i32
    %dma_wait3A_27 = arith.constant 0 : i32
    %dma_wait3A_28 = tpu.memref_slice %arg3[%dma_wait3A_25, %dma_wait3A_26, %dma_wait3A_27] : memref<4096x16x128xi32, #tpu.memory_space<hbm>> -> memref<4096x16x128xi32, #tpu.memory_space<hbm>>
    tpu.wait_indirect_dma semaphore(%arg9 : memref<!tpu.dma_semaphore, #tpu.memory_space<semaphore_mem>>) src(%dma_wait3A_28 : memref<4096x16x128xi32, #tpu.memory_space<hbm>>) dst(%arg8 : memref<32x16x128xi32, #tpu.memory_space<vmem>>)
    "tpu.region"() ({
      %run_scoped3A = tpu.sem_alloc : memref<!tpu.dma_semaphore, #tpu.memory_space<semaphore_mem>>
      %dma_start3A_37 = arith.constant 0 : i32
      %dma_start3A_38 = arith.constant 0 : i32
      %dma_start3A_39 = tpu.memref_slice %arg5[%add3A_20, %dma_start3A_37, %dma_start3A_38] : memref<2048x16x128xi32, #tpu.memory_space<hbm>> -> memref<32x16x128xi32, #tpu.memory_space<hbm>>
      %dma_start3A_40 = arith.constant 0 : i32
      %dma_start3A_41 = arith.constant 0 : i32
      %dma_start3A_42 = tpu.memref_slice %arg5[%add3A_20, %dma_start3A_40, %dma_start3A_41] : memref<2048x16x128xi32, #tpu.memory_space<hbm>> -> memref<32x16x128xi32, #tpu.memory_space<hbm>>
      tpu.enqueue_dma source(%arg8 : memref<32x16x128xi32, #tpu.memory_space<vmem>>) target(%dma_start3A_42 : memref<32x16x128xi32, #tpu.memory_space<hbm>>) target_semaphore(%run_scoped3A : memref<!tpu.dma_semaphore, #tpu.memory_space<semaphore_mem>>)
      %dma_wait3A_43 = arith.constant 0 : i32
      %dma_wait3A_44 = arith.constant 0 : i32
      %dma_wait3A_45 = tpu.memref_slice %arg5[%add3A_20, %dma_wait3A_43, %dma_wait3A_44] : memref<2048x16x128xi32, #tpu.memory_space<hbm>> -> memref<32x16x128xi32, #tpu.memory_space<hbm>>
      %dma_wait3A_46 = arith.constant 0 : i32
      %dma_wait3A_47 = arith.constant 0 : i32
      %dma_wait3A_48 = tpu.memref_slice %arg5[%add3A_20, %dma_wait3A_46, %dma_wait3A_47] : memref<2048x16x128xi32, #tpu.memory_space<hbm>> -> memref<32x16x128xi32, #tpu.memory_space<hbm>>
      tpu.wait_dma2 semaphore(%run_scoped3A : memref<!tpu.dma_semaphore, #tpu.memory_space<semaphore_mem>>) src(%arg8 : memref<32x16x128xi32, #tpu.memory_space<vmem>>) dst(%dma_wait3A_48 : memref<32x16x128xi32, #tpu.memory_space<hbm>>)
      tpu.yield
    }) : () -> ()
    %dma_start3A_29 = arith.constant 0 : i32
    %dma_start3A_30 = arith.constant 0 : i32
    %dma_start3A_31 = arith.constant 0 : i32
    %dma_start3A_32 = tpu.memref_slice %arg4[%dma_start3A_29, %dma_start3A_30, %dma_start3A_31] : memref<4096x16x128xi32, #tpu.memory_space<hbm>> -> memref<4096x16x128xi32, #tpu.memory_space<hbm>>
    tpu.enqueue_indirect_dma source(%dma_start3A_32 : memref<4096x16x128xi32, #tpu.memory_space<hbm>>) target(%arg8 : memref<32x16x128xi32, #tpu.memory_space<vmem>>) offsets(%arg7 : memref<32xi32, #tpu.memory_space<vmem>>) semaphore(%arg9 : memref<!tpu.dma_semaphore, #tpu.memory_space<semaphore_mem>>)
    %dma_wait3A_33 = arith.constant 0 : i32
    %dma_wait3A_34 = arith.constant 0 : i32
    %dma_wait3A_35 = arith.constant 0 : i32
    %dma_wait3A_36 = tpu.memref_slice %arg4[%dma_wait3A_33, %dma_wait3A_34, %dma_wait3A_35] : memref<4096x16x128xi32, #tpu.memory_space<hbm>> -> memref<4096x16x128xi32, #tpu.memory_space<hbm>>
    tpu.wait_indirect_dma semaphore(%arg9 : memref<!tpu.dma_semaphore, #tpu.memory_space<semaphore_mem>>) src(%dma_wait3A_36 : memref<4096x16x128xi32, #tpu.memory_space<hbm>>) dst(%arg8 : memref<32x16x128xi32, #tpu.memory_space<vmem>>)
    "tpu.region"() ({
      %run_scoped3A = tpu.sem_alloc : memref<!tpu.dma_semaphore, #tpu.memory_space<semaphore_mem>>
      %dma_start3A_37 = arith.constant 0 : i32
      %dma_start3A_38 = arith.constant 0 : i32
      %dma_start3A_39 = tpu.memref_slice %arg6[%add3A_20, %dma_start3A_37, %dma_start3A_38] : memref<2048x16x128xi32, #tpu.memory_space<hbm>> -> memref<32x16x128xi32, #tpu.memory_space<hbm>>
      %dma_start3A_40 = arith.constant 0 : i32
      %dma_start3A_41 = arith.constant 0 : i32
      %dma_start3A_42 = tpu.memref_slice %arg6[%add3A_20, %dma_start3A_40, %dma_start3A_41] : memref<2048x16x128xi32, #tpu.memory_space<hbm>> -> memref<32x16x128xi32, #tpu.memory_space<hbm>>
      tpu.enqueue_dma source(%arg8 : memref<32x16x128xi32, #tpu.memory_space<vmem>>) target(%dma_start3A_42 : memref<32x16x128xi32, #tpu.memory_space<hbm>>) target_semaphore(%run_scoped3A : memref<!tpu.dma_semaphore, #tpu.memory_space<semaphore_mem>>)
      %dma_wait3A_43 = arith.constant 0 : i32
      %dma_wait3A_44 = arith.constant 0 : i32
      %dma_wait3A_45 = tpu.memref_slice %arg6[%add3A_20, %dma_wait3A_43, %dma_wait3A_44] : memref<2048x16x128xi32, #tpu.memory_space<hbm>> -> memref<32x16x128xi32, #tpu.memory_space<hbm>>
      %dma_wait3A_46 = arith.constant 0 : i32
      %dma_wait3A_47 = arith.constant 0 : i32
      %dma_wait3A_48 = tpu.memref_slice %arg6[%add3A_20, %dma_wait3A_46, %dma_wait3A_47] : memref<2048x16x128xi32, #tpu.memory_space<hbm>> -> memref<32x16x128xi32, #tpu.memory_space<hbm>>
      tpu.wait_dma2 semaphore(%run_scoped3A : memref<!tpu.dma_semaphore, #tpu.memory_space<semaphore_mem>>) src(%arg8 : memref<32x16x128xi32, #tpu.memory_space<vmem>>) dst(%dma_wait3A_48 : memref<32x16x128xi32, #tpu.memory_space<hbm>>)
      tpu.yield
    }) : () -> ()
    return
  }
}

module attributes {stable_mosaic.version = 14 : i64} {
  func.func @_transpack_body(%arg0: i32, %arg1: memref<4096x256xf32, #tpu.memory_space<vmem>>, %arg2: memref<256x16x128xi32, #tpu.memory_space<vmem>>) attributes {dimension_semantics = [#tpu.dimension_semantics<arbitrary>], iteration_bounds = array<i64: 16>, scalar_prefetch = 0 : i64, scratch_operands = 0 : i64, tpu.core_type = #tpu.core_type<tc>, window_params = [{transform_indices = @transform_0, window_bounds = array<i64: 4096, 256>}, {transform_indices = @transform_1, window_bounds = array<i64: 256, 16, 128>}]} {
    %get3A = arith.constant 0 : index
    %get3A_0 = arith.constant 0 : index
    %get3A_1 = vector.load %arg1[%get3A, %get3A_0] : memref<4096x256xf32, #tpu.memory_space<vmem>>, vector<256x256xf32>
    %ne3A = arith.constant 0.000000e+00 : f32
    %ne3A_2 = vector.broadcast %ne3A : f32 to vector<256x256xf32>
    %ne3A_3 = arith.cmpf one, %get3A_1, %ne3A_2 : vector<256x256xf32>
    %get3A_4 = arith.constant 2048 : index
    %get3A_5 = arith.constant 0 : index
    %get3A_6 = vector.load %arg1[%get3A_4, %get3A_5] : memref<4096x256xf32, #tpu.memory_space<vmem>>, vector<256x256xf32>
    %ne3A_7 = arith.constant 0.000000e+00 : f32
    %ne3A_8 = vector.broadcast %ne3A_7 : f32 to vector<256x256xf32>
    %ne3A_9 = arith.cmpf one, %get3A_6, %ne3A_8 : vector<256x256xf32>
    %convert_element_type3A = arith.extui %ne3A_3 : vector<256x256xi1> to vector<256x256xi32>
    %convert_element_type3A_10 = arith.sitofp %convert_element_type3A : vector<256x256xi32> to vector<256x256xf32>
    %transpose3A = tpu.transpose %convert_element_type3A_10, [1, 0] : vector<256x256xf32> -> vector<256x256xf32>
    %convert_element_type3A_11 = arith.extui %ne3A_9 : vector<256x256xi1> to vector<256x256xi32>
    %convert_element_type3A_12 = arith.sitofp %convert_element_type3A_11 : vector<256x256xi32> to vector<256x256xf32>
    %transpose3A_13 = tpu.transpose %convert_element_type3A_12, [1, 0] : vector<256x256xf32> -> vector<256x256xf32>
    %mul3A = arith.constant 6.553600e+04 : f32
    %mul3A_14 = vector.broadcast %mul3A : f32 to vector<256x256xf32>
    %mul3A_15 = arith.mulf %mul3A_14, %transpose3A_13 : vector<256x256xf32>
    %add3A = arith.addf %transpose3A, %mul3A_15 : vector<256x256xf32>
    %convert_element_type3A_16 = arith.fptosi %add3A : vector<256x256xf32> to vector<256x256xi32>
    %slice3A = vector.extract_strided_slice %convert_element_type3A_16 {offsets = [0, 0], sizes = [256, 128], strides = [1, 1]} : vector<256x256xi32> to vector<256x128xi32>
    %swap3A = arith.constant 0 : index
    %swap3A_17 = arith.constant 0 : index
    %swap3A_18 = arith.constant 0 : index
    %swap3A_19 = vector.load %arg2[%swap3A, %swap3A_17, %swap3A_18] : memref<256x16x128xi32, #tpu.memory_space<vmem>>, vector<256x1x128xi32>
    %swap3A_20 = vector.shape_cast %swap3A_19 : vector<256x1x128xi32> to vector<256x128xi32>
    %swap3A_21 = vector.shape_cast %slice3A : vector<256x128xi32> to vector<256x1x128xi32>
    tpu.vector_store %arg2[%swap3A, %swap3A_17, %swap3A_18], %swap3A_21 {strides = array<i32>} : memref<256x16x128xi32, #tpu.memory_space<vmem>>, vector<256x1x128xi32>,
    %slice3A_22 = vector.extract_strided_slice %convert_element_type3A_16 {offsets = [0, 128], sizes = [256, 128], strides = [1, 1]} : vector<256x256xi32> to vector<256x128xi32>
    %swap3A_23 = arith.constant 0 : index
    %swap3A_24 = arith.constant 1 : index
    %swap3A_25 = arith.constant 0 : index
    %swap3A_26 = vector.load %arg2[%swap3A_23, %swap3A_24, %swap3A_25] : memref<256x16x128xi32, #tpu.memory_space<vmem>>, vector<256x1x128xi32>
    %swap3A_27 = vector.shape_cast %swap3A_26 : vector<256x1x128xi32> to vector<256x128xi32>
    %swap3A_28 = vector.shape_cast %slice3A_22 : vector<256x128xi32> to vector<256x1x128xi32>
    tpu.vector_store %arg2[%swap3A_23, %swap3A_24, %swap3A_25], %swap3A_28 {strides = array<i32>} : memref<256x16x128xi32, #tpu.memory_space<vmem>>, vector<256x1x128xi32>,
    %get3A_29 = arith.constant 256 : index
    %get3A_30 = arith.constant 0 : index
    %get3A_31 = vector.load %arg1[%get3A_29, %get3A_30] : memref<4096x256xf32, #tpu.memory_space<vmem>>, vector<256x256xf32>
    %ne3A_32 = arith.constant 0.000000e+00 : f32
    %ne3A_33 = vector.broadcast %ne3A_32 : f32 to vector<256x256xf32>
    %ne3A_34 = arith.cmpf one, %get3A_31, %ne3A_33 : vector<256x256xf32>
    %get3A_35 = arith.constant 2304 : index
    %get3A_36 = arith.constant 0 : index
    %get3A_37 = vector.load %arg1[%get3A_35, %get3A_36] : memref<4096x256xf32, #tpu.memory_space<vmem>>, vector<256x256xf32>
    %ne3A_38 = arith.constant 0.000000e+00 : f32
    %ne3A_39 = vector.broadcast %ne3A_38 : f32 to vector<256x256xf32>
    %ne3A_40 = arith.cmpf one, %get3A_37, %ne3A_39 : vector<256x256xf32>
    %convert_element_type3A_41 = arith.extui %ne3A_34 : vector<256x256xi1> to vector<256x256xi32>
    %convert_element_type3A_42 = arith.sitofp %convert_element_type3A_41 : vector<256x256xi32> to vector<256x256xf32>
    %transpose3A_43 = tpu.transpose %convert_element_type3A_42, [1, 0] : vector<256x256xf32> -> vector<256x256xf32>
    %convert_element_type3A_44 = arith.extui %ne3A_40 : vector<256x256xi1> to vector<256x256xi32>
    %convert_element_type3A_45 = arith.sitofp %convert_element_type3A_44 : vector<256x256xi32> to vector<256x256xf32>
    %transpose3A_46 = tpu.transpose %convert_element_type3A_45, [1, 0] : vector<256x256xf32> -> vector<256x256xf32>
    %mul3A_47 = arith.constant 6.553600e+04 : f32
    %mul3A_48 = vector.broadcast %mul3A_47 : f32 to vector<256x256xf32>
    %mul3A_49 = arith.mulf %mul3A_48, %transpose3A_46 : vector<256x256xf32>
    %add3A_50 = arith.addf %transpose3A_43, %mul3A_49 : vector<256x256xf32>
    %convert_element_type3A_51 = arith.fptosi %add3A_50 : vector<256x256xf32> to vector<256x256xi32>
    %slice3A_52 = vector.extract_strided_slice %convert_element_type3A_51 {offsets = [0, 0], sizes = [256, 128], strides = [1, 1]} : vector<256x256xi32> to vector<256x128xi32>
    %swap3A_53 = arith.constant 0 : index
    %swap3A_54 = arith.constant 2 : index
    %swap3A_55 = arith.constant 0 : index
    %swap3A_56 = vector.load %arg2[%swap3A_53, %swap3A_54, %swap3A_55] : memref<256x16x128xi32, #tpu.memory_space<vmem>>, vector<256x1x128xi32>
    %swap3A_57 = vector.shape_cast %swap3A_56 : vector<256x1x128xi32> to vector<256x128xi32>
    %swap3A_58 = vector.shape_cast %slice3A_52 : vector<256x128xi32> to vector<256x1x128xi32>
    tpu.vector_store %arg2[%swap3A_53, %swap3A_54, %swap3A_55], %swap3A_58 {strides = array<i32>} : memref<256x16x128xi32, #tpu.memory_space<vmem>>, vector<256x1x128xi32>,
    %slice3A_59 = vector.extract_strided_slice %convert_element_type3A_51 {offsets = [0, 128], sizes = [256, 128], strides = [1, 1]} : vector<256x256xi32> to vector<256x128xi32>
    %swap3A_60 = arith.constant 0 : index
    %swap3A_61 = arith.constant 3 : index
    %swap3A_62 = arith.constant 0 : index
    %swap3A_63 = vector.load %arg2[%swap3A_60, %swap3A_61, %swap3A_62] : memref<256x16x128xi32, #tpu.memory_space<vmem>>, vector<256x1x128xi32>
    %swap3A_64 = vector.shape_cast %swap3A_63 : vector<256x1x128xi32> to vector<256x128xi32>
    %swap3A_65 = vector.shape_cast %slice3A_59 : vector<256x128xi32> to vector<256x1x128xi32>
    tpu.vector_store %arg2[%swap3A_60, %swap3A_61, %swap3A_62], %swap3A_65 {strides = array<i32>} : memref<256x16x128xi32, #tpu.memory_space<vmem>>, vector<256x1x128xi32>,
    %get3A_66 = arith.constant 512 : index
    %get3A_67 = arith.constant 0 : index
    %get3A_68 = vector.load %arg1[%get3A_66, %get3A_67] : memref<4096x256xf32, #tpu.memory_space<vmem>>, vector<256x256xf32>
    %ne3A_69 = arith.constant 0.000000e+00 : f32
    %ne3A_70 = vector.broadcast %ne3A_69 : f32 to vector<256x256xf32>
    %ne3A_71 = arith.cmpf one, %get3A_68, %ne3A_70 : vector<256x256xf32>
    %get3A_72 = arith.constant 2560 : index
    %get3A_73 = arith.constant 0 : index
    %get3A_74 = vector.load %arg1[%get3A_72, %get3A_73] : memref<4096x256xf32, #tpu.memory_space<vmem>>, vector<256x256xf32>
    %ne3A_75 = arith.constant 0.000000e+00 : f32
    %ne3A_76 = vector.broadcast %ne3A_75 : f32 to vector<256x256xf32>
    %ne3A_77 = arith.cmpf one, %get3A_74, %ne3A_76 : vector<256x256xf32>
    %convert_element_type3A_78 = arith.extui %ne3A_71 : vector<256x256xi1> to vector<256x256xi32>
    %convert_element_type3A_79 = arith.sitofp %convert_element_type3A_78 : vector<256x256xi32> to vector<256x256xf32>
    %transpose3A_80 = tpu.transpose %convert_element_type3A_79, [1, 0] : vector<256x256xf32> -> vector<256x256xf32>
    %convert_element_type3A_81 = arith.extui %ne3A_77 : vector<256x256xi1> to vector<256x256xi32>
    %convert_element_type3A_82 = arith.sitofp %convert_element_type3A_81 : vector<256x256xi32> to vector<256x256xf32>
    %transpose3A_83 = tpu.transpose %convert_element_type3A_82, [1, 0] : vector<256x256xf32> -> vector<256x256xf32>
    %mul3A_84 = arith.constant 6.553600e+04 : f32
    %mul3A_85 = vector.broadcast %mul3A_84 : f32 to vector<256x256xf32>
    %mul3A_86 = arith.mulf %mul3A_85, %transpose3A_83 : vector<256x256xf32>
    %add3A_87 = arith.addf %transpose3A_80, %mul3A_86 : vector<256x256xf32>
    %convert_element_type3A_88 = arith.fptosi %add3A_87 : vector<256x256xf32> to vector<256x256xi32>
    %slice3A_89 = vector.extract_strided_slice %convert_element_type3A_88 {offsets = [0, 0], sizes = [256, 128], strides = [1, 1]} : vector<256x256xi32> to vector<256x128xi32>
    %swap3A_90 = arith.constant 0 : index
    %swap3A_91 = arith.constant 4 : index
    %swap3A_92 = arith.constant 0 : index
    %swap3A_93 = vector.load %arg2[%swap3A_90, %swap3A_91, %swap3A_92] : memref<256x16x128xi32, #tpu.memory_space<vmem>>, vector<256x1x128xi32>
    %swap3A_94 = vector.shape_cast %swap3A_93 : vector<256x1x128xi32> to vector<256x128xi32>
    %swap3A_95 = vector.shape_cast %slice3A_89 : vector<256x128xi32> to vector<256x1x128xi32>
    tpu.vector_store %arg2[%swap3A_90, %swap3A_91, %swap3A_92], %swap3A_95 {strides = array<i32>} : memref<256x16x128xi32, #tpu.memory_space<vmem>>, vector<256x1x128xi32>,
    %slice3A_96 = vector.extract_strided_slice %convert_element_type3A_88 {offsets = [0, 128], sizes = [256, 128], strides = [1, 1]} : vector<256x256xi32> to vector<256x128xi32>
    %swap3A_97 = arith.constant 0 : index
    %swap3A_98 = arith.constant 5 : index
    %swap3A_99 = arith.constant 0 : index
    %swap3A_100 = vector.load %arg2[%swap3A_97, %swap3A_98, %swap3A_99] : memref<256x16x128xi32, #tpu.memory_space<vmem>>, vector<256x1x128xi32>
    %swap3A_101 = vector.shape_cast %swap3A_100 : vector<256x1x128xi32> to vector<256x128xi32>
    %swap3A_102 = vector.shape_cast %slice3A_96 : vector<256x128xi32> to vector<256x1x128xi32>
    tpu.vector_store %arg2[%swap3A_97, %swap3A_98, %swap3A_99], %swap3A_102 {strides = array<i32>} : memref<256x16x128xi32, #tpu.memory_space<vmem>>, vector<256x1x128xi32>,
    %get3A_103 = arith.constant 768 : index
    %get3A_104 = arith.constant 0 : index
    %get3A_105 = vector.load %arg1[%get3A_103, %get3A_104] : memref<4096x256xf32, #tpu.memory_space<vmem>>, vector<256x256xf32>
    %ne3A_106 = arith.constant 0.000000e+00 : f32
    %ne3A_107 = vector.broadcast %ne3A_106 : f32 to vector<256x256xf32>
    %ne3A_108 = arith.cmpf one, %get3A_105, %ne3A_107 : vector<256x256xf32>
    %get3A_109 = arith.constant 2816 : index
    %get3A_110 = arith.constant 0 : index
    %get3A_111 = vector.load %arg1[%get3A_109, %get3A_110] : memref<4096x256xf32, #tpu.memory_space<vmem>>, vector<256x256xf32>
    %ne3A_112 = arith.constant 0.000000e+00 : f32
    %ne3A_113 = vector.broadcast %ne3A_112 : f32 to vector<256x256xf32>
    %ne3A_114 = arith.cmpf one, %get3A_111, %ne3A_113 : vector<256x256xf32>
    %convert_element_type3A_115 = arith.extui %ne3A_108 : vector<256x256xi1> to vector<256x256xi32>
    %convert_element_type3A_116 = arith.sitofp %convert_element_type3A_115 : vector<256x256xi32> to vector<256x256xf32>
    %transpose3A_117 = tpu.transpose %convert_element_type3A_116, [1, 0] : vector<256x256xf32> -> vector<256x256xf32>
    %convert_element_type3A_118 = arith.extui %ne3A_114 : vector<256x256xi1> to vector<256x256xi32>
    %convert_element_type3A_119 = arith.sitofp %convert_element_type3A_118 : vector<256x256xi32> to vector<256x256xf32>
    %transpose3A_120 = tpu.transpose %convert_element_type3A_119, [1, 0] : vector<256x256xf32> -> vector<256x256xf32>
    %mul3A_121 = arith.constant 6.553600e+04 : f32
    %mul3A_122 = vector.broadcast %mul3A_121 : f32 to vector<256x256xf32>
    %mul3A_123 = arith.mulf %mul3A_122, %transpose3A_120 : vector<256x256xf32>
    %add3A_124 = arith.addf %transpose3A_117, %mul3A_123 : vector<256x256xf32>
    %convert_element_type3A_125 = arith.fptosi %add3A_124 : vector<256x256xf32> to vector<256x256xi32>
    %slice3A_126 = vector.extract_strided_slice %convert_element_type3A_125 {offsets = [0, 0], sizes = [256, 128], strides = [1, 1]} : vector<256x256xi32> to vector<256x128xi32>
    %swap3A_127 = arith.constant 0 : index
    %swap3A_128 = arith.constant 6 : index
    %swap3A_129 = arith.constant 0 : index
    %swap3A_130 = vector.load %arg2[%swap3A_127, %swap3A_128, %swap3A_129] : memref<256x16x128xi32, #tpu.memory_space<vmem>>, vector<256x1x128xi32>
    %swap3A_131 = vector.shape_cast %swap3A_130 : vector<256x1x128xi32> to vector<256x128xi32>
    %swap3A_132 = vector.shape_cast %slice3A_126 : vector<256x128xi32> to vector<256x1x128xi32>
    tpu.vector_store %arg2[%swap3A_127, %swap3A_128, %swap3A_129], %swap3A_132 {strides = array<i32>} : memref<256x16x128xi32, #tpu.memory_space<vmem>>, vector<256x1x128xi32>,
    %slice3A_133 = vector.extract_strided_slice %convert_element_type3A_125 {offsets = [0, 128], sizes = [256, 128], strides = [1, 1]} : vector<256x256xi32> to vector<256x128xi32>
    %swap3A_134 = arith.constant 0 : index
    %swap3A_135 = arith.constant 7 : index
    %swap3A_136 = arith.constant 0 : index
    %swap3A_137 = vector.load %arg2[%swap3A_134, %swap3A_135, %swap3A_136] : memref<256x16x128xi32, #tpu.memory_space<vmem>>, vector<256x1x128xi32>
    %swap3A_138 = vector.shape_cast %swap3A_137 : vector<256x1x128xi32> to vector<256x128xi32>
    %swap3A_139 = vector.shape_cast %slice3A_133 : vector<256x128xi32> to vector<256x1x128xi32>
    tpu.vector_store %arg2[%swap3A_134, %swap3A_135, %swap3A_136], %swap3A_139 {strides = array<i32>} : memref<256x16x128xi32, #tpu.memory_space<vmem>>, vector<256x1x128xi32>,
    %get3A_140 = arith.constant 1024 : index
    %get3A_141 = arith.constant 0 : index
    %get3A_142 = vector.load %arg1[%get3A_140, %get3A_141] : memref<4096x256xf32, #tpu.memory_space<vmem>>, vector<256x256xf32>
    %ne3A_143 = arith.constant 0.000000e+00 : f32
    %ne3A_144 = vector.broadcast %ne3A_143 : f32 to vector<256x256xf32>
    %ne3A_145 = arith.cmpf one, %get3A_142, %ne3A_144 : vector<256x256xf32>
    %get3A_146 = arith.constant 3072 : index
    %get3A_147 = arith.constant 0 : index
    %get3A_148 = vector.load %arg1[%get3A_146, %get3A_147] : memref<4096x256xf32, #tpu.memory_space<vmem>>, vector<256x256xf32>
    %ne3A_149 = arith.constant 0.000000e+00 : f32
    %ne3A_150 = vector.broadcast %ne3A_149 : f32 to vector<256x256xf32>
    %ne3A_151 = arith.cmpf one, %get3A_148, %ne3A_150 : vector<256x256xf32>
    %convert_element_type3A_152 = arith.extui %ne3A_145 : vector<256x256xi1> to vector<256x256xi32>
    %convert_element_type3A_153 = arith.sitofp %convert_element_type3A_152 : vector<256x256xi32> to vector<256x256xf32>
    %transpose3A_154 = tpu.transpose %convert_element_type3A_153, [1, 0] : vector<256x256xf32> -> vector<256x256xf32>
    %convert_element_type3A_155 = arith.extui %ne3A_151 : vector<256x256xi1> to vector<256x256xi32>
    %convert_element_type3A_156 = arith.sitofp %convert_element_type3A_155 : vector<256x256xi32> to vector<256x256xf32>
    %transpose3A_157 = tpu.transpose %convert_element_type3A_156, [1, 0] : vector<256x256xf32> -> vector<256x256xf32>
    %mul3A_158 = arith.constant 6.553600e+04 : f32
    %mul3A_159 = vector.broadcast %mul3A_158 : f32 to vector<256x256xf32>
    %mul3A_160 = arith.mulf %mul3A_159, %transpose3A_157 : vector<256x256xf32>
    %add3A_161 = arith.addf %transpose3A_154, %mul3A_160 : vector<256x256xf32>
    %convert_element_type3A_162 = arith.fptosi %add3A_161 : vector<256x256xf32> to vector<256x256xi32>
    %slice3A_163 = vector.extract_strided_slice %convert_element_type3A_162 {offsets = [0, 0], sizes = [256, 128], strides = [1, 1]} : vector<256x256xi32> to vector<256x128xi32>
    %swap3A_164 = arith.constant 0 : index
    %swap3A_165 = arith.constant 8 : index
    %swap3A_166 = arith.constant 0 : index
    %swap3A_167 = vector.load %arg2[%swap3A_164, %swap3A_165, %swap3A_166] : memref<256x16x128xi32, #tpu.memory_space<vmem>>, vector<256x1x128xi32>
    %swap3A_168 = vector.shape_cast %swap3A_167 : vector<256x1x128xi32> to vector<256x128xi32>
    %swap3A_169 = vector.shape_cast %slice3A_163 : vector<256x128xi32> to vector<256x1x128xi32>
    tpu.vector_store %arg2[%swap3A_164, %swap3A_165, %swap3A_166], %swap3A_169 {strides = array<i32>} : memref<256x16x128xi32, #tpu.memory_space<vmem>>, vector<256x1x128xi32>,
    %slice3A_170 = vector.extract_strided_slice %convert_element_type3A_162 {offsets = [0, 128], sizes = [256, 128], strides = [1, 1]} : vector<256x256xi32> to vector<256x128xi32>
    %swap3A_171 = arith.constant 0 : index
    %swap3A_172 = arith.constant 9 : index
    %swap3A_173 = arith.constant 0 : index
    %swap3A_174 = vector.load %arg2[%swap3A_171, %swap3A_172, %swap3A_173] : memref<256x16x128xi32, #tpu.memory_space<vmem>>, vector<256x1x128xi32>
    %swap3A_175 = vector.shape_cast %swap3A_174 : vector<256x1x128xi32> to vector<256x128xi32>
    %swap3A_176 = vector.shape_cast %slice3A_170 : vector<256x128xi32> to vector<256x1x128xi32>
    tpu.vector_store %arg2[%swap3A_171, %swap3A_172, %swap3A_173], %swap3A_176 {strides = array<i32>} : memref<256x16x128xi32, #tpu.memory_space<vmem>>, vector<256x1x128xi32>,
    %get3A_177 = arith.constant 1280 : index
    %get3A_178 = arith.constant 0 : index
    %get3A_179 = vector.load %arg1[%get3A_177, %get3A_178] : memref<4096x256xf32, #tpu.memory_space<vmem>>, vector<256x256xf32>
    %ne3A_180 = arith.constant 0.000000e+00 : f32
    %ne3A_181 = vector.broadcast %ne3A_180 : f32 to vector<256x256xf32>
    %ne3A_182 = arith.cmpf one, %get3A_179, %ne3A_181 : vector<256x256xf32>
    %get3A_183 = arith.constant 3328 : index
    %get3A_184 = arith.constant 0 : index
    %get3A_185 = vector.load %arg1[%get3A_183, %get3A_184] : memref<4096x256xf32, #tpu.memory_space<vmem>>, vector<256x256xf32>
    %ne3A_186 = arith.constant 0.000000e+00 : f32
    %ne3A_187 = vector.broadcast %ne3A_186 : f32 to vector<256x256xf32>
    %ne3A_188 = arith.cmpf one, %get3A_185, %ne3A_187 : vector<256x256xf32>
    %convert_element_type3A_189 = arith.extui %ne3A_182 : vector<256x256xi1> to vector<256x256xi32>
    %convert_element_type3A_190 = arith.sitofp %convert_element_type3A_189 : vector<256x256xi32> to vector<256x256xf32>
    %transpose3A_191 = tpu.transpose %convert_element_type3A_190, [1, 0] : vector<256x256xf32> -> vector<256x256xf32>
    %convert_element_type3A_192 = arith.extui %ne3A_188 : vector<256x256xi1> to vector<256x256xi32>
    %convert_element_type3A_193 = arith.sitofp %convert_element_type3A_192 : vector<256x256xi32> to vector<256x256xf32>
    %transpose3A_194 = tpu.transpose %convert_element_type3A_193, [1, 0] : vector<256x256xf32> -> vector<256x256xf32>
    %mul3A_195 = arith.constant 6.553600e+04 : f32
    %mul3A_196 = vector.broadcast %mul3A_195 : f32 to vector<256x256xf32>
    %mul3A_197 = arith.mulf %mul3A_196, %transpose3A_194 : vector<256x256xf32>
    %add3A_198 = arith.addf %transpose3A_191, %mul3A_197 : vector<256x256xf32>
    %convert_element_type3A_199 = arith.fptosi %add3A_198 : vector<256x256xf32> to vector<256x256xi32>
    %slice3A_200 = vector.extract_strided_slice %convert_element_type3A_199 {offsets = [0, 0], sizes = [256, 128], strides = [1, 1]} : vector<256x256xi32> to vector<256x128xi32>
    %swap3A_201 = arith.constant 0 : index
    %swap3A_202 = arith.constant 10 : index
    %swap3A_203 = arith.constant 0 : index
    %swap3A_204 = vector.load %arg2[%swap3A_201, %swap3A_202, %swap3A_203] : memref<256x16x128xi32, #tpu.memory_space<vmem>>, vector<256x1x128xi32>
    %swap3A_205 = vector.shape_cast %swap3A_204 : vector<256x1x128xi32> to vector<256x128xi32>
    %swap3A_206 = vector.shape_cast %slice3A_200 : vector<256x128xi32> to vector<256x1x128xi32>
    tpu.vector_store %arg2[%swap3A_201, %swap3A_202, %swap3A_203], %swap3A_206 {strides = array<i32>} : memref<256x16x128xi32, #tpu.memory_space<vmem>>, vector<256x1x128xi32>,
    %slice3A_207 = vector.extract_strided_slice %convert_element_type3A_199 {offsets = [0, 128], sizes = [256, 128], strides = [1, 1]} : vector<256x256xi32> to vector<256x128xi32>
    %swap3A_208 = arith.constant 0 : index
    %swap3A_209 = arith.constant 11 : index
    %swap3A_210 = arith.constant 0 : index
    %swap3A_211 = vector.load %arg2[%swap3A_208, %swap3A_209, %swap3A_210] : memref<256x16x128xi32, #tpu.memory_space<vmem>>, vector<256x1x128xi32>
    %swap3A_212 = vector.shape_cast %swap3A_211 : vector<256x1x128xi32> to vector<256x128xi32>
    %swap3A_213 = vector.shape_cast %slice3A_207 : vector<256x128xi32> to vector<256x1x128xi32>
    tpu.vector_store %arg2[%swap3A_208, %swap3A_209, %swap3A_210], %swap3A_213 {strides = array<i32>} : memref<256x16x128xi32, #tpu.memory_space<vmem>>, vector<256x1x128xi32>,
    %get3A_214 = arith.constant 1536 : index
    %get3A_215 = arith.constant 0 : index
    %get3A_216 = vector.load %arg1[%get3A_214, %get3A_215] : memref<4096x256xf32, #tpu.memory_space<vmem>>, vector<256x256xf32>
    %ne3A_217 = arith.constant 0.000000e+00 : f32
    %ne3A_218 = vector.broadcast %ne3A_217 : f32 to vector<256x256xf32>
    %ne3A_219 = arith.cmpf one, %get3A_216, %ne3A_218 : vector<256x256xf32>
    %get3A_220 = arith.constant 3584 : index
    %get3A_221 = arith.constant 0 : index
    %get3A_222 = vector.load %arg1[%get3A_220, %get3A_221] : memref<4096x256xf32, #tpu.memory_space<vmem>>, vector<256x256xf32>
    %ne3A_223 = arith.constant 0.000000e+00 : f32
    %ne3A_224 = vector.broadcast %ne3A_223 : f32 to vector<256x256xf32>
    %ne3A_225 = arith.cmpf one, %get3A_222, %ne3A_224 : vector<256x256xf32>
    %convert_element_type3A_226 = arith.extui %ne3A_219 : vector<256x256xi1> to vector<256x256xi32>
    %convert_element_type3A_227 = arith.sitofp %convert_element_type3A_226 : vector<256x256xi32> to vector<256x256xf32>
    %transpose3A_228 = tpu.transpose %convert_element_type3A_227, [1, 0] : vector<256x256xf32> -> vector<256x256xf32>
    %convert_element_type3A_229 = arith.extui %ne3A_225 : vector<256x256xi1> to vector<256x256xi32>
    %convert_element_type3A_230 = arith.sitofp %convert_element_type3A_229 : vector<256x256xi32> to vector<256x256xf32>
    %transpose3A_231 = tpu.transpose %convert_element_type3A_230, [1, 0] : vector<256x256xf32> -> vector<256x256xf32>
    %mul3A_232 = arith.constant 6.553600e+04 : f32
    %mul3A_233 = vector.broadcast %mul3A_232 : f32 to vector<256x256xf32>
    %mul3A_234 = arith.mulf %mul3A_233, %transpose3A_231 : vector<256x256xf32>
    %add3A_235 = arith.addf %transpose3A_228, %mul3A_234 : vector<256x256xf32>
    %convert_element_type3A_236 = arith.fptosi %add3A_235 : vector<256x256xf32> to vector<256x256xi32>
    %slice3A_237 = vector.extract_strided_slice %convert_element_type3A_236 {offsets = [0, 0], sizes = [256, 128], strides = [1, 1]} : vector<256x256xi32> to vector<256x128xi32>
    %swap3A_238 = arith.constant 0 : index
    %swap3A_239 = arith.constant 12 : index
    %swap3A_240 = arith.constant 0 : index
    %swap3A_241 = vector.load %arg2[%swap3A_238, %swap3A_239, %swap3A_240] : memref<256x16x128xi32, #tpu.memory_space<vmem>>, vector<256x1x128xi32>
    %swap3A_242 = vector.shape_cast %swap3A_241 : vector<256x1x128xi32> to vector<256x128xi32>
    %swap3A_243 = vector.shape_cast %slice3A_237 : vector<256x128xi32> to vector<256x1x128xi32>
    tpu.vector_store %arg2[%swap3A_238, %swap3A_239, %swap3A_240], %swap3A_243 {strides = array<i32>} : memref<256x16x128xi32, #tpu.memory_space<vmem>>, vector<256x1x128xi32>,
    %slice3A_244 = vector.extract_strided_slice %convert_element_type3A_236 {offsets = [0, 128], sizes = [256, 128], strides = [1, 1]} : vector<256x256xi32> to vector<256x128xi32>
    %swap3A_245 = arith.constant 0 : index
    %swap3A_246 = arith.constant 13 : index
    %swap3A_247 = arith.constant 0 : index
    %swap3A_248 = vector.load %arg2[%swap3A_245, %swap3A_246, %swap3A_247] : memref<256x16x128xi32, #tpu.memory_space<vmem>>, vector<256x1x128xi32>
    %swap3A_249 = vector.shape_cast %swap3A_248 : vector<256x1x128xi32> to vector<256x128xi32>
    %swap3A_250 = vector.shape_cast %slice3A_244 : vector<256x128xi32> to vector<256x1x128xi32>
    tpu.vector_store %arg2[%swap3A_245, %swap3A_246, %swap3A_247], %swap3A_250 {strides = array<i32>} : memref<256x16x128xi32, #tpu.memory_space<vmem>>, vector<256x1x128xi32>,
    %get3A_251 = arith.constant 1792 : index
    %get3A_252 = arith.constant 0 : index
    %get3A_253 = vector.load %arg1[%get3A_251, %get3A_252] : memref<4096x256xf32, #tpu.memory_space<vmem>>, vector<256x256xf32>
    %ne3A_254 = arith.constant 0.000000e+00 : f32
    %ne3A_255 = vector.broadcast %ne3A_254 : f32 to vector<256x256xf32>
    %ne3A_256 = arith.cmpf one, %get3A_253, %ne3A_255 : vector<256x256xf32>
    %get3A_257 = arith.constant 3840 : index
    %get3A_258 = arith.constant 0 : index
    %get3A_259 = vector.load %arg1[%get3A_257, %get3A_258] : memref<4096x256xf32, #tpu.memory_space<vmem>>, vector<256x256xf32>
    %ne3A_260 = arith.constant 0.000000e+00 : f32
    %ne3A_261 = vector.broadcast %ne3A_260 : f32 to vector<256x256xf32>
    %ne3A_262 = arith.cmpf one, %get3A_259, %ne3A_261 : vector<256x256xf32>
    %convert_element_type3A_263 = arith.extui %ne3A_256 : vector<256x256xi1> to vector<256x256xi32>
    %convert_element_type3A_264 = arith.sitofp %convert_element_type3A_263 : vector<256x256xi32> to vector<256x256xf32>
    %transpose3A_265 = tpu.transpose %convert_element_type3A_264, [1, 0] : vector<256x256xf32> -> vector<256x256xf32>
    %convert_element_type3A_266 = arith.extui %ne3A_262 : vector<256x256xi1> to vector<256x256xi32>
    %convert_element_type3A_267 = arith.sitofp %convert_element_type3A_266 : vector<256x256xi32> to vector<256x256xf32>
    %transpose3A_268 = tpu.transpose %convert_element_type3A_267, [1, 0] : vector<256x256xf32> -> vector<256x256xf32>
    %mul3A_269 = arith.constant 6.553600e+04 : f32
    %mul3A_270 = vector.broadcast %mul3A_269 : f32 to vector<256x256xf32>
    %mul3A_271 = arith.mulf %mul3A_270, %transpose3A_268 : vector<256x256xf32>
    %add3A_272 = arith.addf %transpose3A_265, %mul3A_271 : vector<256x256xf32>
    %convert_element_type3A_273 = arith.fptosi %add3A_272 : vector<256x256xf32> to vector<256x256xi32>
    %slice3A_274 = vector.extract_strided_slice %convert_element_type3A_273 {offsets = [0, 0], sizes = [256, 128], strides = [1, 1]} : vector<256x256xi32> to vector<256x128xi32>
    %swap3A_275 = arith.constant 0 : index
    %swap3A_276 = arith.constant 14 : index
    %swap3A_277 = arith.constant 0 : index
    %swap3A_278 = vector.load %arg2[%swap3A_275, %swap3A_276, %swap3A_277] : memref<256x16x128xi32, #tpu.memory_space<vmem>>, vector<256x1x128xi32>
    %swap3A_279 = vector.shape_cast %swap3A_278 : vector<256x1x128xi32> to vector<256x128xi32>
    %swap3A_280 = vector.shape_cast %slice3A_274 : vector<256x128xi32> to vector<256x1x128xi32>
    tpu.vector_store %arg2[%swap3A_275, %swap3A_276, %swap3A_277], %swap3A_280 {strides = array<i32>} : memref<256x16x128xi32, #tpu.memory_space<vmem>>, vector<256x1x128xi32>,
    %slice3A_281 = vector.extract_strided_slice %convert_element_type3A_273 {offsets = [0, 128], sizes = [256, 128], strides = [1, 1]} : vector<256x256xi32> to vector<256x128xi32>
    %swap3A_282 = arith.constant 0 : index
    %swap3A_283 = arith.constant 15 : index
    %swap3A_284 = arith.constant 0 : index
    %swap3A_285 = vector.load %arg2[%swap3A_282, %swap3A_283, %swap3A_284] : memref<256x16x128xi32, #tpu.memory_space<vmem>>, vector<256x1x128xi32>
    %swap3A_286 = vector.shape_cast %swap3A_285 : vector<256x1x128xi32> to vector<256x128xi32>
    %swap3A_287 = vector.shape_cast %slice3A_281 : vector<256x128xi32> to vector<256x1x128xi32>
    tpu.vector_store %arg2[%swap3A_282, %swap3A_283, %swap3A_284], %swap3A_287 {strides = array<i32>} : memref<256x16x128xi32, #tpu.memory_space<vmem>>, vector<256x1x128xi32>,
    return
  }
  func.func @transform_0(%arg0: i32) -> (i32, i32) {
    %c0_i32 = arith.constant 0 : i32
    %c0_i32_0 = arith.constant 0 : i32
    return %c0_i32, %arg0 : i32, i32
  }
  func.func @transform_1(%arg0: i32) -> (i32, i32, i32) {
    %c0_i32 = arith.constant 0 : i32
    %c0_i32_0 = arith.constant 0 : i32
    %c0_i32_1 = arith.constant 0 : i32
    return %arg0, %c0_i32, %c0_i32_0 : i32, i32, i32
  }
}

module attributes {stable_mosaic.version = 14 : i64} {
  func.func @_binpack_body(%arg0: i32, %arg1: memref<256x4096xf32, #tpu.memory_space<vmem>>, %arg2: memref<256x16x128xi32, #tpu.memory_space<vmem>>) attributes {dimension_semantics = [#tpu.dimension_semantics<arbitrary>], iteration_bounds = array<i64: 16>, scalar_prefetch = 0 : i64, scratch_operands = 0 : i64, tpu.core_type = #tpu.core_type<tc>, window_params = [{transform_indices = @transform_0, window_bounds = array<i64: 256, 4096>}, {transform_indices = @transform_1, window_bounds = array<i64: 256, 16, 128>}]} {
    %get3A = arith.constant 0 : index
    %get3A_0 = arith.constant 0 : index
    %get3A_1 = vector.load %arg1[%get3A, %get3A_0] : memref<256x4096xf32, #tpu.memory_space<vmem>>, vector<256x256xf32>
    %ne3A = arith.constant 0.000000e+00 : f32
    %ne3A_2 = vector.broadcast %ne3A : f32 to vector<256x256xf32>
    %ne3A_3 = arith.cmpf one, %get3A_1, %ne3A_2 : vector<256x256xf32>
    %get3A_4 = arith.constant 0 : index
    %get3A_5 = arith.constant 2048 : index
    %get3A_6 = vector.load %arg1[%get3A_4, %get3A_5] : memref<256x4096xf32, #tpu.memory_space<vmem>>, vector<256x256xf32>
    %ne3A_7 = arith.constant 0.000000e+00 : f32
    %ne3A_8 = vector.broadcast %ne3A_7 : f32 to vector<256x256xf32>
    %ne3A_9 = arith.cmpf one, %get3A_6, %ne3A_8 : vector<256x256xf32>
    %convert_element_type3A = arith.extui %ne3A_3 : vector<256x256xi1> to vector<256x256xi32>
    %convert_element_type3A_10 = arith.sitofp %convert_element_type3A : vector<256x256xi32> to vector<256x256xf32>
    %convert_element_type3A_11 = arith.extui %ne3A_9 : vector<256x256xi1> to vector<256x256xi32>
    %convert_element_type3A_12 = arith.sitofp %convert_element_type3A_11 : vector<256x256xi32> to vector<256x256xf32>
    %mul3A = arith.constant 6.553600e+04 : f32
    %mul3A_13 = vector.broadcast %mul3A : f32 to vector<256x256xf32>
    %mul3A_14 = arith.mulf %mul3A_13, %convert_element_type3A_12 : vector<256x256xf32>
    %add3A = arith.addf %convert_element_type3A_10, %mul3A_14 : vector<256x256xf32>
    %convert_element_type3A_15 = arith.fptosi %add3A : vector<256x256xf32> to vector<256x256xi32>
    %slice3A = vector.extract_strided_slice %convert_element_type3A_15 {offsets = [0, 0], sizes = [256, 128], strides = [1, 1]} : vector<256x256xi32> to vector<256x128xi32>
    %swap3A = arith.constant 0 : index
    %swap3A_16 = arith.constant 0 : index
    %swap3A_17 = arith.constant 0 : index
    %swap3A_18 = vector.load %arg2[%swap3A, %swap3A_16, %swap3A_17] : memref<256x16x128xi32, #tpu.memory_space<vmem>>, vector<256x1x128xi32>
    %swap3A_19 = vector.shape_cast %swap3A_18 : vector<256x1x128xi32> to vector<256x128xi32>
    %swap3A_20 = vector.shape_cast %slice3A : vector<256x128xi32> to vector<256x1x128xi32>
    tpu.vector_store %arg2[%swap3A, %swap3A_16, %swap3A_17], %swap3A_20 {strides = array<i32>} : memref<256x16x128xi32, #tpu.memory_space<vmem>>, vector<256x1x128xi32>,
    %slice3A_21 = vector.extract_strided_slice %convert_element_type3A_15 {offsets = [0, 128], sizes = [256, 128], strides = [1, 1]} : vector<256x256xi32> to vector<256x128xi32>
    %swap3A_22 = arith.constant 0 : index
    %swap3A_23 = arith.constant 1 : index
    %swap3A_24 = arith.constant 0 : index
    %swap3A_25 = vector.load %arg2[%swap3A_22, %swap3A_23, %swap3A_24] : memref<256x16x128xi32, #tpu.memory_space<vmem>>, vector<256x1x128xi32>
    %swap3A_26 = vector.shape_cast %swap3A_25 : vector<256x1x128xi32> to vector<256x128xi32>
    %swap3A_27 = vector.shape_cast %slice3A_21 : vector<256x128xi32> to vector<256x1x128xi32>
    tpu.vector_store %arg2[%swap3A_22, %swap3A_23, %swap3A_24], %swap3A_27 {strides = array<i32>} : memref<256x16x128xi32, #tpu.memory_space<vmem>>, vector<256x1x128xi32>,
    %get3A_28 = arith.constant 0 : index
    %get3A_29 = arith.constant 256 : index
    %get3A_30 = vector.load %arg1[%get3A_28, %get3A_29] : memref<256x4096xf32, #tpu.memory_space<vmem>>, vector<256x256xf32>
    %ne3A_31 = arith.constant 0.000000e+00 : f32
    %ne3A_32 = vector.broadcast %ne3A_31 : f32 to vector<256x256xf32>
    %ne3A_33 = arith.cmpf one, %get3A_30, %ne3A_32 : vector<256x256xf32>
    %get3A_34 = arith.constant 0 : index
    %get3A_35 = arith.constant 2304 : index
    %get3A_36 = vector.load %arg1[%get3A_34, %get3A_35] : memref<256x4096xf32, #tpu.memory_space<vmem>>, vector<256x256xf32>
    %ne3A_37 = arith.constant 0.000000e+00 : f32
    %ne3A_38 = vector.broadcast %ne3A_37 : f32 to vector<256x256xf32>
    %ne3A_39 = arith.cmpf one, %get3A_36, %ne3A_38 : vector<256x256xf32>
    %convert_element_type3A_40 = arith.extui %ne3A_33 : vector<256x256xi1> to vector<256x256xi32>
    %convert_element_type3A_41 = arith.sitofp %convert_element_type3A_40 : vector<256x256xi32> to vector<256x256xf32>
    %convert_element_type3A_42 = arith.extui %ne3A_39 : vector<256x256xi1> to vector<256x256xi32>
    %convert_element_type3A_43 = arith.sitofp %convert_element_type3A_42 : vector<256x256xi32> to vector<256x256xf32>
    %mul3A_44 = arith.constant 6.553600e+04 : f32
    %mul3A_45 = vector.broadcast %mul3A_44 : f32 to vector<256x256xf32>
    %mul3A_46 = arith.mulf %mul3A_45, %convert_element_type3A_43 : vector<256x256xf32>
    %add3A_47 = arith.addf %convert_element_type3A_41, %mul3A_46 : vector<256x256xf32>
    %convert_element_type3A_48 = arith.fptosi %add3A_47 : vector<256x256xf32> to vector<256x256xi32>
    %slice3A_49 = vector.extract_strided_slice %convert_element_type3A_48 {offsets = [0, 0], sizes = [256, 128], strides = [1, 1]} : vector<256x256xi32> to vector<256x128xi32>
    %swap3A_50 = arith.constant 0 : index
    %swap3A_51 = arith.constant 2 : index
    %swap3A_52 = arith.constant 0 : index
    %swap3A_53 = vector.load %arg2[%swap3A_50, %swap3A_51, %swap3A_52] : memref<256x16x128xi32, #tpu.memory_space<vmem>>, vector<256x1x128xi32>
    %swap3A_54 = vector.shape_cast %swap3A_53 : vector<256x1x128xi32> to vector<256x128xi32>
    %swap3A_55 = vector.shape_cast %slice3A_49 : vector<256x128xi32> to vector<256x1x128xi32>
    tpu.vector_store %arg2[%swap3A_50, %swap3A_51, %swap3A_52], %swap3A_55 {strides = array<i32>} : memref<256x16x128xi32, #tpu.memory_space<vmem>>, vector<256x1x128xi32>,
    %slice3A_56 = vector.extract_strided_slice %convert_element_type3A_48 {offsets = [0, 128], sizes = [256, 128], strides = [1, 1]} : vector<256x256xi32> to vector<256x128xi32>
    %swap3A_57 = arith.constant 0 : index
    %swap3A_58 = arith.constant 3 : index
    %swap3A_59 = arith.constant 0 : index
    %swap3A_60 = vector.load %arg2[%swap3A_57, %swap3A_58, %swap3A_59] : memref<256x16x128xi32, #tpu.memory_space<vmem>>, vector<256x1x128xi32>
    %swap3A_61 = vector.shape_cast %swap3A_60 : vector<256x1x128xi32> to vector<256x128xi32>
    %swap3A_62 = vector.shape_cast %slice3A_56 : vector<256x128xi32> to vector<256x1x128xi32>
    tpu.vector_store %arg2[%swap3A_57, %swap3A_58, %swap3A_59], %swap3A_62 {strides = array<i32>} : memref<256x16x128xi32, #tpu.memory_space<vmem>>, vector<256x1x128xi32>,
    %get3A_63 = arith.constant 0 : index
    %get3A_64 = arith.constant 512 : index
    %get3A_65 = vector.load %arg1[%get3A_63, %get3A_64] : memref<256x4096xf32, #tpu.memory_space<vmem>>, vector<256x256xf32>
    %ne3A_66 = arith.constant 0.000000e+00 : f32
    %ne3A_67 = vector.broadcast %ne3A_66 : f32 to vector<256x256xf32>
    %ne3A_68 = arith.cmpf one, %get3A_65, %ne3A_67 : vector<256x256xf32>
    %get3A_69 = arith.constant 0 : index
    %get3A_70 = arith.constant 2560 : index
    %get3A_71 = vector.load %arg1[%get3A_69, %get3A_70] : memref<256x4096xf32, #tpu.memory_space<vmem>>, vector<256x256xf32>
    %ne3A_72 = arith.constant 0.000000e+00 : f32
    %ne3A_73 = vector.broadcast %ne3A_72 : f32 to vector<256x256xf32>
    %ne3A_74 = arith.cmpf one, %get3A_71, %ne3A_73 : vector<256x256xf32>
    %convert_element_type3A_75 = arith.extui %ne3A_68 : vector<256x256xi1> to vector<256x256xi32>
    %convert_element_type3A_76 = arith.sitofp %convert_element_type3A_75 : vector<256x256xi32> to vector<256x256xf32>
    %convert_element_type3A_77 = arith.extui %ne3A_74 : vector<256x256xi1> to vector<256x256xi32>
    %convert_element_type3A_78 = arith.sitofp %convert_element_type3A_77 : vector<256x256xi32> to vector<256x256xf32>
    %mul3A_79 = arith.constant 6.553600e+04 : f32
    %mul3A_80 = vector.broadcast %mul3A_79 : f32 to vector<256x256xf32>
    %mul3A_81 = arith.mulf %mul3A_80, %convert_element_type3A_78 : vector<256x256xf32>
    %add3A_82 = arith.addf %convert_element_type3A_76, %mul3A_81 : vector<256x256xf32>
    %convert_element_type3A_83 = arith.fptosi %add3A_82 : vector<256x256xf32> to vector<256x256xi32>
    %slice3A_84 = vector.extract_strided_slice %convert_element_type3A_83 {offsets = [0, 0], sizes = [256, 128], strides = [1, 1]} : vector<256x256xi32> to vector<256x128xi32>
    %swap3A_85 = arith.constant 0 : index
    %swap3A_86 = arith.constant 4 : index
    %swap3A_87 = arith.constant 0 : index
    %swap3A_88 = vector.load %arg2[%swap3A_85, %swap3A_86, %swap3A_87] : memref<256x16x128xi32, #tpu.memory_space<vmem>>, vector<256x1x128xi32>
    %swap3A_89 = vector.shape_cast %swap3A_88 : vector<256x1x128xi32> to vector<256x128xi32>
    %swap3A_90 = vector.shape_cast %slice3A_84 : vector<256x128xi32> to vector<256x1x128xi32>
    tpu.vector_store %arg2[%swap3A_85, %swap3A_86, %swap3A_87], %swap3A_90 {strides = array<i32>} : memref<256x16x128xi32, #tpu.memory_space<vmem>>, vector<256x1x128xi32>,
    %slice3A_91 = vector.extract_strided_slice %convert_element_type3A_83 {offsets = [0, 128], sizes = [256, 128], strides = [1, 1]} : vector<256x256xi32> to vector<256x128xi32>
    %swap3A_92 = arith.constant 0 : index
    %swap3A_93 = arith.constant 5 : index
    %swap3A_94 = arith.constant 0 : index
    %swap3A_95 = vector.load %arg2[%swap3A_92, %swap3A_93, %swap3A_94] : memref<256x16x128xi32, #tpu.memory_space<vmem>>, vector<256x1x128xi32>
    %swap3A_96 = vector.shape_cast %swap3A_95 : vector<256x1x128xi32> to vector<256x128xi32>
    %swap3A_97 = vector.shape_cast %slice3A_91 : vector<256x128xi32> to vector<256x1x128xi32>
    tpu.vector_store %arg2[%swap3A_92, %swap3A_93, %swap3A_94], %swap3A_97 {strides = array<i32>} : memref<256x16x128xi32, #tpu.memory_space<vmem>>, vector<256x1x128xi32>,
    %get3A_98 = arith.constant 0 : index
    %get3A_99 = arith.constant 768 : index
    %get3A_100 = vector.load %arg1[%get3A_98, %get3A_99] : memref<256x4096xf32, #tpu.memory_space<vmem>>, vector<256x256xf32>
    %ne3A_101 = arith.constant 0.000000e+00 : f32
    %ne3A_102 = vector.broadcast %ne3A_101 : f32 to vector<256x256xf32>
    %ne3A_103 = arith.cmpf one, %get3A_100, %ne3A_102 : vector<256x256xf32>
    %get3A_104 = arith.constant 0 : index
    %get3A_105 = arith.constant 2816 : index
    %get3A_106 = vector.load %arg1[%get3A_104, %get3A_105] : memref<256x4096xf32, #tpu.memory_space<vmem>>, vector<256x256xf32>
    %ne3A_107 = arith.constant 0.000000e+00 : f32
    %ne3A_108 = vector.broadcast %ne3A_107 : f32 to vector<256x256xf32>
    %ne3A_109 = arith.cmpf one, %get3A_106, %ne3A_108 : vector<256x256xf32>
    %convert_element_type3A_110 = arith.extui %ne3A_103 : vector<256x256xi1> to vector<256x256xi32>
    %convert_element_type3A_111 = arith.sitofp %convert_element_type3A_110 : vector<256x256xi32> to vector<256x256xf32>
    %convert_element_type3A_112 = arith.extui %ne3A_109 : vector<256x256xi1> to vector<256x256xi32>
    %convert_element_type3A_113 = arith.sitofp %convert_element_type3A_112 : vector<256x256xi32> to vector<256x256xf32>
    %mul3A_114 = arith.constant 6.553600e+04 : f32
    %mul3A_115 = vector.broadcast %mul3A_114 : f32 to vector<256x256xf32>
    %mul3A_116 = arith.mulf %mul3A_115, %convert_element_type3A_113 : vector<256x256xf32>
    %add3A_117 = arith.addf %convert_element_type3A_111, %mul3A_116 : vector<256x256xf32>
    %convert_element_type3A_118 = arith.fptosi %add3A_117 : vector<256x256xf32> to vector<256x256xi32>
    %slice3A_119 = vector.extract_strided_slice %convert_element_type3A_118 {offsets = [0, 0], sizes = [256, 128], strides = [1, 1]} : vector<256x256xi32> to vector<256x128xi32>
    %swap3A_120 = arith.constant 0 : index
    %swap3A_121 = arith.constant 6 : index
    %swap3A_122 = arith.constant 0 : index
    %swap3A_123 = vector.load %arg2[%swap3A_120, %swap3A_121, %swap3A_122] : memref<256x16x128xi32, #tpu.memory_space<vmem>>, vector<256x1x128xi32>
    %swap3A_124 = vector.shape_cast %swap3A_123 : vector<256x1x128xi32> to vector<256x128xi32>
    %swap3A_125 = vector.shape_cast %slice3A_119 : vector<256x128xi32> to vector<256x1x128xi32>
    tpu.vector_store %arg2[%swap3A_120, %swap3A_121, %swap3A_122], %swap3A_125 {strides = array<i32>} : memref<256x16x128xi32, #tpu.memory_space<vmem>>, vector<256x1x128xi32>,
    %slice3A_126 = vector.extract_strided_slice %convert_element_type3A_118 {offsets = [0, 128], sizes = [256, 128], strides = [1, 1]} : vector<256x256xi32> to vector<256x128xi32>
    %swap3A_127 = arith.constant 0 : index
    %swap3A_128 = arith.constant 7 : index
    %swap3A_129 = arith.constant 0 : index
    %swap3A_130 = vector.load %arg2[%swap3A_127, %swap3A_128, %swap3A_129] : memref<256x16x128xi32, #tpu.memory_space<vmem>>, vector<256x1x128xi32>
    %swap3A_131 = vector.shape_cast %swap3A_130 : vector<256x1x128xi32> to vector<256x128xi32>
    %swap3A_132 = vector.shape_cast %slice3A_126 : vector<256x128xi32> to vector<256x1x128xi32>
    tpu.vector_store %arg2[%swap3A_127, %swap3A_128, %swap3A_129], %swap3A_132 {strides = array<i32>} : memref<256x16x128xi32, #tpu.memory_space<vmem>>, vector<256x1x128xi32>,
    %get3A_133 = arith.constant 0 : index
    %get3A_134 = arith.constant 1024 : index
    %get3A_135 = vector.load %arg1[%get3A_133, %get3A_134] : memref<256x4096xf32, #tpu.memory_space<vmem>>, vector<256x256xf32>
    %ne3A_136 = arith.constant 0.000000e+00 : f32
    %ne3A_137 = vector.broadcast %ne3A_136 : f32 to vector<256x256xf32>
    %ne3A_138 = arith.cmpf one, %get3A_135, %ne3A_137 : vector<256x256xf32>
    %get3A_139 = arith.constant 0 : index
    %get3A_140 = arith.constant 3072 : index
    %get3A_141 = vector.load %arg1[%get3A_139, %get3A_140] : memref<256x4096xf32, #tpu.memory_space<vmem>>, vector<256x256xf32>
    %ne3A_142 = arith.constant 0.000000e+00 : f32
    %ne3A_143 = vector.broadcast %ne3A_142 : f32 to vector<256x256xf32>
    %ne3A_144 = arith.cmpf one, %get3A_141, %ne3A_143 : vector<256x256xf32>
    %convert_element_type3A_145 = arith.extui %ne3A_138 : vector<256x256xi1> to vector<256x256xi32>
    %convert_element_type3A_146 = arith.sitofp %convert_element_type3A_145 : vector<256x256xi32> to vector<256x256xf32>
    %convert_element_type3A_147 = arith.extui %ne3A_144 : vector<256x256xi1> to vector<256x256xi32>
    %convert_element_type3A_148 = arith.sitofp %convert_element_type3A_147 : vector<256x256xi32> to vector<256x256xf32>
    %mul3A_149 = arith.constant 6.553600e+04 : f32
    %mul3A_150 = vector.broadcast %mul3A_149 : f32 to vector<256x256xf32>
    %mul3A_151 = arith.mulf %mul3A_150, %convert_element_type3A_148 : vector<256x256xf32>
    %add3A_152 = arith.addf %convert_element_type3A_146, %mul3A_151 : vector<256x256xf32>
    %convert_element_type3A_153 = arith.fptosi %add3A_152 : vector<256x256xf32> to vector<256x256xi32>
    %slice3A_154 = vector.extract_strided_slice %convert_element_type3A_153 {offsets = [0, 0], sizes = [256, 128], strides = [1, 1]} : vector<256x256xi32> to vector<256x128xi32>
    %swap3A_155 = arith.constant 0 : index
    %swap3A_156 = arith.constant 8 : index
    %swap3A_157 = arith.constant 0 : index
    %swap3A_158 = vector.load %arg2[%swap3A_155, %swap3A_156, %swap3A_157] : memref<256x16x128xi32, #tpu.memory_space<vmem>>, vector<256x1x128xi32>
    %swap3A_159 = vector.shape_cast %swap3A_158 : vector<256x1x128xi32> to vector<256x128xi32>
    %swap3A_160 = vector.shape_cast %slice3A_154 : vector<256x128xi32> to vector<256x1x128xi32>
    tpu.vector_store %arg2[%swap3A_155, %swap3A_156, %swap3A_157], %swap3A_160 {strides = array<i32>} : memref<256x16x128xi32, #tpu.memory_space<vmem>>, vector<256x1x128xi32>,
    %slice3A_161 = vector.extract_strided_slice %convert_element_type3A_153 {offsets = [0, 128], sizes = [256, 128], strides = [1, 1]} : vector<256x256xi32> to vector<256x128xi32>
    %swap3A_162 = arith.constant 0 : index
    %swap3A_163 = arith.constant 9 : index
    %swap3A_164 = arith.constant 0 : index
    %swap3A_165 = vector.load %arg2[%swap3A_162, %swap3A_163, %swap3A_164] : memref<256x16x128xi32, #tpu.memory_space<vmem>>, vector<256x1x128xi32>
    %swap3A_166 = vector.shape_cast %swap3A_165 : vector<256x1x128xi32> to vector<256x128xi32>
    %swap3A_167 = vector.shape_cast %slice3A_161 : vector<256x128xi32> to vector<256x1x128xi32>
    tpu.vector_store %arg2[%swap3A_162, %swap3A_163, %swap3A_164], %swap3A_167 {strides = array<i32>} : memref<256x16x128xi32, #tpu.memory_space<vmem>>, vector<256x1x128xi32>,
    %get3A_168 = arith.constant 0 : index
    %get3A_169 = arith.constant 1280 : index
    %get3A_170 = vector.load %arg1[%get3A_168, %get3A_169] : memref<256x4096xf32, #tpu.memory_space<vmem>>, vector<256x256xf32>
    %ne3A_171 = arith.constant 0.000000e+00 : f32
    %ne3A_172 = vector.broadcast %ne3A_171 : f32 to vector<256x256xf32>
    %ne3A_173 = arith.cmpf one, %get3A_170, %ne3A_172 : vector<256x256xf32>
    %get3A_174 = arith.constant 0 : index
    %get3A_175 = arith.constant 3328 : index
    %get3A_176 = vector.load %arg1[%get3A_174, %get3A_175] : memref<256x4096xf32, #tpu.memory_space<vmem>>, vector<256x256xf32>
    %ne3A_177 = arith.constant 0.000000e+00 : f32
    %ne3A_178 = vector.broadcast %ne3A_177 : f32 to vector<256x256xf32>
    %ne3A_179 = arith.cmpf one, %get3A_176, %ne3A_178 : vector<256x256xf32>
    %convert_element_type3A_180 = arith.extui %ne3A_173 : vector<256x256xi1> to vector<256x256xi32>
    %convert_element_type3A_181 = arith.sitofp %convert_element_type3A_180 : vector<256x256xi32> to vector<256x256xf32>
    %convert_element_type3A_182 = arith.extui %ne3A_179 : vector<256x256xi1> to vector<256x256xi32>
    %convert_element_type3A_183 = arith.sitofp %convert_element_type3A_182 : vector<256x256xi32> to vector<256x256xf32>
    %mul3A_184 = arith.constant 6.553600e+04 : f32
    %mul3A_185 = vector.broadcast %mul3A_184 : f32 to vector<256x256xf32>
    %mul3A_186 = arith.mulf %mul3A_185, %convert_element_type3A_183 : vector<256x256xf32>
    %add3A_187 = arith.addf %convert_element_type3A_181, %mul3A_186 : vector<256x256xf32>
    %convert_element_type3A_188 = arith.fptosi %add3A_187 : vector<256x256xf32> to vector<256x256xi32>
    %slice3A_189 = vector.extract_strided_slice %convert_element_type3A_188 {offsets = [0, 0], sizes = [256, 128], strides = [1, 1]} : vector<256x256xi32> to vector<256x128xi32>
    %swap3A_190 = arith.constant 0 : index
    %swap3A_191 = arith.constant 10 : index
    %swap3A_192 = arith.constant 0 : index
    %swap3A_193 = vector.load %arg2[%swap3A_190, %swap3A_191, %swap3A_192] : memref<256x16x128xi32, #tpu.memory_space<vmem>>, vector<256x1x128xi32>
    %swap3A_194 = vector.shape_cast %swap3A_193 : vector<256x1x128xi32> to vector<256x128xi32>
    %swap3A_195 = vector.shape_cast %slice3A_189 : vector<256x128xi32> to vector<256x1x128xi32>
    tpu.vector_store %arg2[%swap3A_190, %swap3A_191, %swap3A_192], %swap3A_195 {strides = array<i32>} : memref<256x16x128xi32, #tpu.memory_space<vmem>>, vector<256x1x128xi32>,
    %slice3A_196 = vector.extract_strided_slice %convert_element_type3A_188 {offsets = [0, 128], sizes = [256, 128], strides = [1, 1]} : vector<256x256xi32> to vector<256x128xi32>
    %swap3A_197 = arith.constant 0 : index
    %swap3A_198 = arith.constant 11 : index
    %swap3A_199 = arith.constant 0 : index
    %swap3A_200 = vector.load %arg2[%swap3A_197, %swap3A_198, %swap3A_199] : memref<256x16x128xi32, #tpu.memory_space<vmem>>, vector<256x1x128xi32>
    %swap3A_201 = vector.shape_cast %swap3A_200 : vector<256x1x128xi32> to vector<256x128xi32>
    %swap3A_202 = vector.shape_cast %slice3A_196 : vector<256x128xi32> to vector<256x1x128xi32>
    tpu.vector_store %arg2[%swap3A_197, %swap3A_198, %swap3A_199], %swap3A_202 {strides = array<i32>} : memref<256x16x128xi32, #tpu.memory_space<vmem>>, vector<256x1x128xi32>,
    %get3A_203 = arith.constant 0 : index
    %get3A_204 = arith.constant 1536 : index
    %get3A_205 = vector.load %arg1[%get3A_203, %get3A_204] : memref<256x4096xf32, #tpu.memory_space<vmem>>, vector<256x256xf32>
    %ne3A_206 = arith.constant 0.000000e+00 : f32
    %ne3A_207 = vector.broadcast %ne3A_206 : f32 to vector<256x256xf32>
    %ne3A_208 = arith.cmpf one, %get3A_205, %ne3A_207 : vector<256x256xf32>
    %get3A_209 = arith.constant 0 : index
    %get3A_210 = arith.constant 3584 : index
    %get3A_211 = vector.load %arg1[%get3A_209, %get3A_210] : memref<256x4096xf32, #tpu.memory_space<vmem>>, vector<256x256xf32>
    %ne3A_212 = arith.constant 0.000000e+00 : f32
    %ne3A_213 = vector.broadcast %ne3A_212 : f32 to vector<256x256xf32>
    %ne3A_214 = arith.cmpf one, %get3A_211, %ne3A_213 : vector<256x256xf32>
    %convert_element_type3A_215 = arith.extui %ne3A_208 : vector<256x256xi1> to vector<256x256xi32>
    %convert_element_type3A_216 = arith.sitofp %convert_element_type3A_215 : vector<256x256xi32> to vector<256x256xf32>
    %convert_element_type3A_217 = arith.extui %ne3A_214 : vector<256x256xi1> to vector<256x256xi32>
    %convert_element_type3A_218 = arith.sitofp %convert_element_type3A_217 : vector<256x256xi32> to vector<256x256xf32>
    %mul3A_219 = arith.constant 6.553600e+04 : f32
    %mul3A_220 = vector.broadcast %mul3A_219 : f32 to vector<256x256xf32>
    %mul3A_221 = arith.mulf %mul3A_220, %convert_element_type3A_218 : vector<256x256xf32>
    %add3A_222 = arith.addf %convert_element_type3A_216, %mul3A_221 : vector<256x256xf32>
    %convert_element_type3A_223 = arith.fptosi %add3A_222 : vector<256x256xf32> to vector<256x256xi32>
    %slice3A_224 = vector.extract_strided_slice %convert_element_type3A_223 {offsets = [0, 0], sizes = [256, 128], strides = [1, 1]} : vector<256x256xi32> to vector<256x128xi32>
    %swap3A_225 = arith.constant 0 : index
    %swap3A_226 = arith.constant 12 : index
    %swap3A_227 = arith.constant 0 : index
    %swap3A_228 = vector.load %arg2[%swap3A_225, %swap3A_226, %swap3A_227] : memref<256x16x128xi32, #tpu.memory_space<vmem>>, vector<256x1x128xi32>
    %swap3A_229 = vector.shape_cast %swap3A_228 : vector<256x1x128xi32> to vector<256x128xi32>
    %swap3A_230 = vector.shape_cast %slice3A_224 : vector<256x128xi32> to vector<256x1x128xi32>
    tpu.vector_store %arg2[%swap3A_225, %swap3A_226, %swap3A_227], %swap3A_230 {strides = array<i32>} : memref<256x16x128xi32, #tpu.memory_space<vmem>>, vector<256x1x128xi32>,
    %slice3A_231 = vector.extract_strided_slice %convert_element_type3A_223 {offsets = [0, 128], sizes = [256, 128], strides = [1, 1]} : vector<256x256xi32> to vector<256x128xi32>
    %swap3A_232 = arith.constant 0 : index
    %swap3A_233 = arith.constant 13 : index
    %swap3A_234 = arith.constant 0 : index
    %swap3A_235 = vector.load %arg2[%swap3A_232, %swap3A_233, %swap3A_234] : memref<256x16x128xi32, #tpu.memory_space<vmem>>, vector<256x1x128xi32>
    %swap3A_236 = vector.shape_cast %swap3A_235 : vector<256x1x128xi32> to vector<256x128xi32>
    %swap3A_237 = vector.shape_cast %slice3A_231 : vector<256x128xi32> to vector<256x1x128xi32>
    tpu.vector_store %arg2[%swap3A_232, %swap3A_233, %swap3A_234], %swap3A_237 {strides = array<i32>} : memref<256x16x128xi32, #tpu.memory_space<vmem>>, vector<256x1x128xi32>,
    %get3A_238 = arith.constant 0 : index
    %get3A_239 = arith.constant 1792 : index
    %get3A_240 = vector.load %arg1[%get3A_238, %get3A_239] : memref<256x4096xf32, #tpu.memory_space<vmem>>, vector<256x256xf32>
    %ne3A_241 = arith.constant 0.000000e+00 : f32
    %ne3A_242 = vector.broadcast %ne3A_241 : f32 to vector<256x256xf32>
    %ne3A_243 = arith.cmpf one, %get3A_240, %ne3A_242 : vector<256x256xf32>
    %get3A_244 = arith.constant 0 : index
    %get3A_245 = arith.constant 3840 : index
    %get3A_246 = vector.load %arg1[%get3A_244, %get3A_245] : memref<256x4096xf32, #tpu.memory_space<vmem>>, vector<256x256xf32>
    %ne3A_247 = arith.constant 0.000000e+00 : f32
    %ne3A_248 = vector.broadcast %ne3A_247 : f32 to vector<256x256xf32>
    %ne3A_249 = arith.cmpf one, %get3A_246, %ne3A_248 : vector<256x256xf32>
    %convert_element_type3A_250 = arith.extui %ne3A_243 : vector<256x256xi1> to vector<256x256xi32>
    %convert_element_type3A_251 = arith.sitofp %convert_element_type3A_250 : vector<256x256xi32> to vector<256x256xf32>
    %convert_element_type3A_252 = arith.extui %ne3A_249 : vector<256x256xi1> to vector<256x256xi32>
    %convert_element_type3A_253 = arith.sitofp %convert_element_type3A_252 : vector<256x256xi32> to vector<256x256xf32>
    %mul3A_254 = arith.constant 6.553600e+04 : f32
    %mul3A_255 = vector.broadcast %mul3A_254 : f32 to vector<256x256xf32>
    %mul3A_256 = arith.mulf %mul3A_255, %convert_element_type3A_253 : vector<256x256xf32>
    %add3A_257 = arith.addf %convert_element_type3A_251, %mul3A_256 : vector<256x256xf32>
    %convert_element_type3A_258 = arith.fptosi %add3A_257 : vector<256x256xf32> to vector<256x256xi32>
    %slice3A_259 = vector.extract_strided_slice %convert_element_type3A_258 {offsets = [0, 0], sizes = [256, 128], strides = [1, 1]} : vector<256x256xi32> to vector<256x128xi32>
    %swap3A_260 = arith.constant 0 : index
    %swap3A_261 = arith.constant 14 : index
    %swap3A_262 = arith.constant 0 : index
    %swap3A_263 = vector.load %arg2[%swap3A_260, %swap3A_261, %swap3A_262] : memref<256x16x128xi32, #tpu.memory_space<vmem>>, vector<256x1x128xi32>
    %swap3A_264 = vector.shape_cast %swap3A_263 : vector<256x1x128xi32> to vector<256x128xi32>
    %swap3A_265 = vector.shape_cast %slice3A_259 : vector<256x128xi32> to vector<256x1x128xi32>
    tpu.vector_store %arg2[%swap3A_260, %swap3A_261, %swap3A_262], %swap3A_265 {strides = array<i32>} : memref<256x16x128xi32, #tpu.memory_space<vmem>>, vector<256x1x128xi32>,
    %slice3A_266 = vector.extract_strided_slice %convert_element_type3A_258 {offsets = [0, 128], sizes = [256, 128], strides = [1, 1]} : vector<256x256xi32> to vector<256x128xi32>
    %swap3A_267 = arith.constant 0 : index
    %swap3A_268 = arith.constant 15 : index
    %swap3A_269 = arith.constant 0 : index
    %swap3A_270 = vector.load %arg2[%swap3A_267, %swap3A_268, %swap3A_269] : memref<256x16x128xi32, #tpu.memory_space<vmem>>, vector<256x1x128xi32>
    %swap3A_271 = vector.shape_cast %swap3A_270 : vector<256x1x128xi32> to vector<256x128xi32>
    %swap3A_272 = vector.shape_cast %slice3A_266 : vector<256x128xi32> to vector<256x1x128xi32>
    tpu.vector_store %arg2[%swap3A_267, %swap3A_268, %swap3A_269], %swap3A_272 {strides = array<i32>} : memref<256x16x128xi32, #tpu.memory_space<vmem>>, vector<256x1x128xi32>,
    return
  }
  func.func @transform_0(%arg0: i32) -> (i32, i32) {
    %c0_i32 = arith.constant 0 : i32
    %c0_i32_0 = arith.constant 0 : i32
    return %arg0, %c0_i32 : i32, i32
  }
  func.func @transform_1(%arg0: i32) -> (i32, i32, i32) {
    %c0_i32 = arith.constant 0 : i32
    %c0_i32_0 = arith.constant 0 : i32
    %c0_i32_1 = arith.constant 0 : i32
    return %arg0, %c0_i32, %c0_i32_0 : i32, i32, i32
  }
}

module attributes {stable_mosaic.version = 14 : i64} {
  func.func @_rank_body(%arg0: i32, %arg1: memref<128x1xf32, #tpu.memory_space<vmem>>, %arg2: memref<1x4096xf32, #tpu.memory_space<vmem>>, %arg3: memref<128x1xi32, #tpu.memory_space<vmem>>) attributes {dimension_semantics = [#tpu.dimension_semantics<arbitrary>], iteration_bounds = array<i64: 32>, scalar_prefetch = 0 : i64, scratch_operands = 0 : i64, tpu.core_type = #tpu.core_type<tc>, window_params = [{transform_indices = @transform_0, window_bounds = array<i64: 128, 1>}, {pipeline_mode = #tpu.pipeline_mode<synchronous>, transform_indices = @transform_1, window_bounds = array<i64: 1, 4096>}, {transform_indices = @transform_2, window_bounds = array<i64: 128, 1>}]} {
    %get3A = arith.constant 0 : index
    %get3A_0 = arith.constant 0 : index
    %get3A_1 = vector.load %arg1[%get3A, %get3A_0] : memref<128x1xf32, #tpu.memory_space<vmem>>, vector<128x1xf32>
    %iota3A = tpu.iota {dimensions = array<i32: 0>} : vector<128x1xi32>
    %mul3A = arith.constant 128 : i32
    %mul3A_2 = arith.muli %arg0, %mul3A : i32
    %add3A = vector.broadcast %mul3A_2 : i32 to vector<128x1xi32>
    %add3A_3 = arith.addi %iota3A, %add3A : vector<128x1xi32>
    %broadcast_in_dim3A = arith.constant 0.000000e+00 : f32
    %broadcast_in_dim3A_4 = vector.broadcast %broadcast_in_dim3A : f32 to vector<128x1xf32>
    %scan3A = arith.constant 0 : i32
    %scan3A_5 = arith.constant 8 : i32
    %scan3A_6 = arith.addi %scan3A, %scan3A_5 : i32
    %scan3A_7 = arith.constant 1 : i32
    %scan3A_8 = scf.for %scan3A_12 = %scan3A to %scan3A_6 step %scan3A_7 iter_args(%scan3A_13 = %broadcast_in_dim3A_4) -> (vector<128x1xf32>)  : i32 {
      %mul3A_14 = arith.constant 512 : i32
      %mul3A_15 = arith.muli %scan3A_12, %mul3A_14 : i32
      %get3A_16 = arith.constant 0 : index
      %get3A_17 = arith.index_cast %mul3A_15 : i32 to index
      %get3A_18 = vector.load %arg2[%get3A_16, %get3A_17] : memref<1x4096xf32, #tpu.memory_space<vmem>>, vector<1x512xf32>
      %iota3A_19 = tpu.iota {dimensions = array<i32: 1>} : vector<1x512xi32>
      %mul3A_20 = arith.constant 512 : i32
      %mul3A_21 = arith.muli %scan3A_12, %mul3A_20 : i32
      %add3A_22 = vector.broadcast %mul3A_21 : i32 to vector<1x512xi32>
      %add3A_23 = arith.addi %iota3A_19, %add3A_22 : vector<1x512xi32>
      %gt3A = vector.broadcast %get3A_18 : vector<1x512xf32> to vector<128x512xf32>
      %gt3A_24 = vector.broadcast %get3A_1 : vector<128x1xf32> to vector<128x512xf32>
      %gt3A_25 = arith.cmpf ogt, %gt3A, %gt3A_24 : vector<128x512xf32>
      %eq3A = vector.broadcast %get3A_18 : vector<1x512xf32> to vector<128x512xf32>
      %eq3A_26 = vector.broadcast %get3A_1 : vector<128x1xf32> to vector<128x512xf32>
      %eq3A_27 = arith.cmpf oeq, %eq3A, %eq3A_26 : vector<128x512xf32>
      %lt3A = vector.broadcast %add3A_23 : vector<1x512xi32> to vector<128x512xi32>
      %lt3A_28 = vector.broadcast %add3A_3 : vector<128x1xi32> to vector<128x512xi32>
      %lt3A_29 = arith.cmpi slt, %lt3A, %lt3A_28 : vector<128x512xi32>
      %and3A = arith.andi %eq3A_27, %lt3A_29 : vector<128x512xi1>
      %or3A = arith.ori %gt3A_25, %and3A : vector<128x512xi1>
      %convert_element_type3A_30 = arith.extui %or3A : vector<128x512xi1> to vector<128x512xi32>
      %convert_element_type3A_31 = arith.sitofp %convert_element_type3A_30 : vector<128x512xi32> to vector<128x512xf32>
      %reduce_sum3A = arith.constant dense<0.000000e+00> : vector<128xf32>
      %reduce_sum3A_32 = vector.multi_reduction <add>, %convert_element_type3A_31, %reduce_sum3A [1] : vector<128x512xf32> to vector<128xf32>
      %broadcast_in_dim3A_33 = vector.shape_cast %reduce_sum3A_32 : vector<128xf32> to vector<128x1xf32>
      %add3A_34 = arith.addf %scan3A_13, %broadcast_in_dim3A_33 : vector<128x1xf32>
      scf.yield %add3A_34 : vector<128x1xf32>
    }
    %scan3A_9 = arith.constant 8 : i32
    %convert_element_type3A = arith.fptosi %scan3A_8 : vector<128x1xf32> to vector<128x1xi32>
    %swap3A = arith.constant 0 : index
    %swap3A_10 = arith.constant 0 : index
    %swap3A_11 = vector.load %arg3[%swap3A, %swap3A_10] : memref<128x1xi32, #tpu.memory_space<vmem>>, vector<128x1xi32>
    tpu.vector_store %arg3[%swap3A, %swap3A_10], %convert_element_type3A {strides = array<i32>} : memref<128x1xi32, #tpu.memory_space<vmem>>, vector<128x1xi32>,
    return
  }
  func.func @transform_0(%arg0: i32) -> (i32, i32) {
    %c0_i32 = arith.constant 0 : i32
    %c0_i32_0 = arith.constant 0 : i32
    return %arg0, %c0_i32 : i32, i32
  }
  func.func @transform_1(%arg0: i32) -> (i32, i32) {
    %c0_i32 = arith.constant 0 : i32
    %c0_i32_0 = arith.constant 0 : i32
    %c0_i32_1 = arith.constant 0 : i32
    return %c0_i32, %c0_i32_0 : i32, i32
  }
  func.func @transform_2(%arg0: i32) -> (i32, i32) {
    %c0_i32 = arith.constant 0 : i32
    %c0_i32_0 = arith.constant 0 : i32
    return %arg0, %c0_i32 : i32, i32
  }
}

module attributes {stable_mosaic.version = 14 : i64} {
  func.func @_invert_body(%arg0: i32, %arg1: memref<1x4096xi32, #tpu.memory_space<vmem>>, %arg2: memref<1x4096xf32, #tpu.memory_space<vmem>>, %arg3: memref<128x1xi32, #tpu.memory_space<vmem>>, %arg4: memref<128x1xf32, #tpu.memory_space<vmem>>) attributes {dimension_semantics = [#tpu.dimension_semantics<arbitrary>], iteration_bounds = array<i64: 16>, scalar_prefetch = 0 : i64, scratch_operands = 0 : i64, tpu.core_type = #tpu.core_type<tc>, window_params = [{pipeline_mode = #tpu.pipeline_mode<synchronous>, transform_indices = @transform_0, window_bounds = array<i64: 1, 4096>}, {pipeline_mode = #tpu.pipeline_mode<synchronous>, transform_indices = @transform_1, window_bounds = array<i64: 1, 4096>}, {transform_indices = @transform_2, window_bounds = array<i64: 128, 1>}, {transform_indices = @transform_3, window_bounds = array<i64: 128, 1>}]} {
    %iota3A = tpu.iota {dimensions = array<i32: 0>} : vector<128x1xi32>
    %mul3A = arith.constant 128 : i32
    %mul3A_0 = arith.muli %arg0, %mul3A : i32
    %add3A = vector.broadcast %mul3A_0 : i32 to vector<128x1xi32>
    %add3A_1 = arith.addi %iota3A, %add3A : vector<128x1xi32>
    %broadcast_in_dim3A = arith.constant 0 : i32
    %broadcast_in_dim3A_2 = vector.broadcast %broadcast_in_dim3A : i32 to vector<128x1xi32>
    %broadcast_in_dim3A_3 = arith.constant 0.000000e+00 : f32
    %broadcast_in_dim3A_4 = vector.broadcast %broadcast_in_dim3A_3 : f32 to vector<128x1xf32>
    %scan3A = arith.constant 0 : i32
    %scan3A_5 = arith.constant 8 : i32
    %scan3A_6 = arith.addi %scan3A, %scan3A_5 : i32
    %scan3A_7 = arith.constant 1 : i32
    %scan3A_8:2 = scf.for %scan3A_15 = %scan3A to %scan3A_6 step %scan3A_7 iter_args(%scan3A_16 = %broadcast_in_dim3A_2, %scan3A_17 = %broadcast_in_dim3A_4) -> (vector<128x1xi32>, vector<128x1xf32>)  : i32 {
      %mul3A_18 = arith.constant 512 : i32
      %mul3A_19 = arith.muli %scan3A_15, %mul3A_18 : i32
      %get3A = arith.constant 0 : index
      %get3A_20 = arith.index_cast %mul3A_19 : i32 to index
      %get3A_21 = vector.load %arg1[%get3A, %get3A_20] : memref<1x4096xi32, #tpu.memory_space<vmem>>, vector<1x512xi32>
      %mul3A_22 = arith.constant 512 : i32
      %mul3A_23 = arith.muli %scan3A_15, %mul3A_22 : i32
      %get3A_24 = arith.constant 0 : index
      %get3A_25 = arith.index_cast %mul3A_23 : i32 to index
      %get3A_26 = vector.load %arg2[%get3A_24, %get3A_25] : memref<1x4096xf32, #tpu.memory_space<vmem>>, vector<1x512xf32>
      %iota3A_27 = tpu.iota {dimensions = array<i32: 1>} : vector<1x512xi32>
      %mul3A_28 = arith.constant 512 : i32
      %mul3A_29 = arith.muli %scan3A_15, %mul3A_28 : i32
      %add3A_30 = vector.broadcast %mul3A_29 : i32 to vector<1x512xi32>
      %add3A_31 = arith.addi %iota3A_27, %add3A_30 : vector<1x512xi32>
      %eq3A = vector.broadcast %get3A_21 : vector<1x512xi32> to vector<128x512xi32>
      %eq3A_32 = vector.broadcast %add3A_1 : vector<128x1xi32> to vector<128x512xi32>
      %eq3A_33 = arith.cmpi eq, %eq3A, %eq3A_32 : vector<128x512xi32>
      %jit3A = arith.constant 0 : i32
      %broadcast_in_dim3A_34 = vector.shape_cast %add3A_31 : vector<1x512xi32> to vector<1x512xi32>
      %broadcast_in_dim3A_35 = vector.broadcast %broadcast_in_dim3A_34 : vector<1x512xi32> to vector<128x512xi32>
      %broadcast_in_dim3A_36 = vector.broadcast %jit3A : i32 to vector<128x512xi32>
      %select_n3A = arith.select %eq3A_33, %broadcast_in_dim3A_35, %broadcast_in_dim3A_36 : vector<128x512xi1>, vector<128x512xi32>
      %reduce_sum3A = arith.constant dense<0> : vector<128xi32>
      %reduce_sum3A_37 = vector.multi_reduction <add>, %select_n3A, %reduce_sum3A [1] : vector<128x512xi32> to vector<128xi32>
      %broadcast_in_dim3A_38 = vector.shape_cast %reduce_sum3A_37 : vector<128xi32> to vector<128x1xi32>
      %add3A_39 = arith.addi %scan3A_16, %broadcast_in_dim3A_38 : vector<128x1xi32>
      %jit3A_40 = arith.constant 0.000000e+00 : f32
      %broadcast_in_dim3A_41 = vector.shape_cast %get3A_26 : vector<1x512xf32> to vector<1x512xf32>
      %broadcast_in_dim3A_42 = vector.broadcast %broadcast_in_dim3A_41 : vector<1x512xf32> to vector<128x512xf32>
      %broadcast_in_dim3A_43 = vector.broadcast %jit3A_40 : f32 to vector<128x512xf32>
      %select_n3A_44 = arith.select %eq3A_33, %broadcast_in_dim3A_42, %broadcast_in_dim3A_43 : vector<128x512xi1>, vector<128x512xf32>
      %reduce_sum3A_45 = arith.constant dense<0.000000e+00> : vector<128xf32>
      %reduce_sum3A_46 = vector.multi_reduction <add>, %select_n3A_44, %reduce_sum3A_45 [1] : vector<128x512xf32> to vector<128xf32>
      %broadcast_in_dim3A_47 = vector.shape_cast %reduce_sum3A_46 : vector<128xf32> to vector<128x1xf32>
      %add3A_48 = arith.addf %scan3A_17, %broadcast_in_dim3A_47 : vector<128x1xf32>
      scf.yield %add3A_39, %add3A_48 : vector<128x1xi32>, vector<128x1xf32>
    }
    %scan3A_9 = arith.constant 8 : i32
    %swap3A = arith.constant 0 : index
    %swap3A_10 = arith.constant 0 : index
    %swap3A_11 = vector.load %arg3[%swap3A, %swap3A_10] : memref<128x1xi32, #tpu.memory_space<vmem>>, vector<128x1xi32>
    tpu.vector_store %arg3[%swap3A, %swap3A_10], %scan3A_8#0 {strides = array<i32>} : memref<128x1xi32, #tpu.memory_space<vmem>>, vector<128x1xi32>,
    %swap3A_12 = arith.constant 0 : index
    %swap3A_13 = arith.constant 0 : index
    %swap3A_14 = vector.load %arg4[%swap3A_12, %swap3A_13] : memref<128x1xf32, #tpu.memory_space<vmem>>, vector<128x1xf32>
    tpu.vector_store %arg4[%swap3A_12, %swap3A_13], %scan3A_8#1 {strides = array<i32>} : memref<128x1xf32, #tpu.memory_space<vmem>>, vector<128x1xf32>,
    return
  }
  func.func @transform_0(%arg0: i32) -> (i32, i32) {
    %c0_i32 = arith.constant 0 : i32
    %c0_i32_0 = arith.constant 0 : i32
    %c0_i32_1 = arith.constant 0 : i32
    return %c0_i32, %c0_i32_0 : i32, i32
  }
  func.func @transform_1(%arg0: i32) -> (i32, i32) {
    %c0_i32 = arith.constant 0 : i32
    %c0_i32_0 = arith.constant 0 : i32
    %c0_i32_1 = arith.constant 0 : i32
    return %c0_i32, %c0_i32_0 : i32, i32
  }
  func.func @transform_2(%arg0: i32) -> (i32, i32) {
    %c0_i32 = arith.constant 0 : i32
    %c0_i32_0 = arith.constant 0 : i32
    return %arg0, %c0_i32 : i32, i32
  }
  func.func @transform_3(%arg0: i32) -> (i32, i32) {
    %c0_i32 = arith.constant 0 : i32
    %c0_i32_0 = arith.constant 0 : i32
    return %arg0, %c0_i32 : i32, i32
  }
}

module attributes {stable_mosaic.version = 14 : i64} {
  func.func @_newh_body(%arg0: i32, %arg1: i32, %arg2: memref<1x512xi32, #tpu.memory_space<vmem>>, %arg3: memref<512x256xf32, #tpu.memory_space<vmem>>, %arg4: memref<512x1xf32, #tpu.memory_space<vmem>>, %arg5: memref<512x256xf32, #tpu.memory_space<vmem>>) attributes {dimension_semantics = [#tpu.dimension_semantics<arbitrary>, #tpu.dimension_semantics<arbitrary>], iteration_bounds = array<i64: 4, 8>, scalar_prefetch = 0 : i64, scratch_operands = 0 : i64, tpu.core_type = #tpu.core_type<tc>, window_params = [{transform_indices = @transform_0, window_bounds = array<i64: 1, 512>}, {transform_indices = @transform_1, window_bounds = array<i64: 512, 256>}, {transform_indices = @transform_2, window_bounds = array<i64: 512, 1>}, {transform_indices = @transform_3, window_bounds = array<i64: 512, 256>}]} {
    %iota3A = tpu.iota {dimensions = array<i32: 0>} : vector<512x1xi32>
    %mul3A = arith.constant 512 : i32
    %mul3A_0 = arith.muli %arg0, %mul3A : i32
    %add3A = vector.broadcast %mul3A_0 : i32 to vector<512x1xi32>
    %add3A_1 = arith.addi %iota3A, %add3A : vector<512x1xi32>
    %get3A = arith.constant 0 : index
    %get3A_2 = arith.constant 0 : index
    %get3A_3 = vector.load %arg2[%get3A, %get3A_2] : memref<1x512xi32, #tpu.memory_space<vmem>>, vector<1x512xi32>
    %eq3A = vector.broadcast %get3A_3 : vector<1x512xi32> to vector<512x512xi32>
    %eq3A_4 = vector.broadcast %add3A_1 : vector<512x1xi32> to vector<512x512xi32>
    %eq3A_5 = arith.cmpi eq, %eq3A, %eq3A_4 : vector<512x512xi32>
    %convert_element_type3A = arith.extui %eq3A_5 : vector<512x512xi1> to vector<512x512xi32>
    %convert_element_type3A_6 = arith.sitofp %convert_element_type3A : vector<512x512xi32> to vector<512x512xf32>
    %get3A_7 = arith.constant 0 : index
    %get3A_8 = arith.constant 0 : index
    %get3A_9 = vector.load %arg3[%get3A_7, %get3A_8] : memref<512x256xf32, #tpu.memory_space<vmem>>, vector<512x256xf32>
    %dot_general3A = arith.constant dense<0.000000e+00> : vector<512x256xf32>
    %dot_general3A_10 = tpu.matmul %convert_element_type3A_6, %get3A_9, %dot_general3A {dimension_numbers = #tpu.dot_dimension_numbers<[1], [0], [0], [1], [0, 0, 1, 1], [], []>, precision = #tpu.contract_precision<fp32>, transpose_lhs_hint = false} : vector<512x512xf32>, vector<512x256xf32>, vector<512x256xf32> -> vector<512x256xf32>
    %eq3A_11 = arith.constant 0 : i32
    %eq3A_12 = arith.cmpi eq, %arg1, %eq3A_11 : i32
    %convert_element_type3A_13 = arith.extui %eq3A_12 : i1 to i32
    %cond3A = arith.constant 0 : i32
    %cond3A_14 = arith.cmpi ne, %convert_element_type3A_13, %cond3A : i32
    scf.if %cond3A_14 {
      %broadcast_in_dim3A = arith.constant 0.000000e+00 : f32
      %broadcast_in_dim3A_24 = vector.broadcast %broadcast_in_dim3A : f32 to vector<512x256xf32>
      %swap3A = arith.constant 0 : index
      %swap3A_25 = arith.constant 0 : index
      %swap3A_26 = vector.load %arg5[%swap3A, %swap3A_25] : memref<512x256xf32, #tpu.memory_space<vmem>>, vector<512x256xf32>
      tpu.vector_store %arg5[%swap3A, %swap3A_25], %broadcast_in_dim3A_24 {strides = array<i32>} : memref<512x256xf32, #tpu.memory_space<vmem>>, vector<512x256xf32>,
    } else {
    }
    %lt3A = arith.constant 7 : i32
    %lt3A_15 = arith.cmpi slt, %arg1, %lt3A : i32
    %convert_element_type3A_16 = arith.extui %lt3A_15 : i1 to i32
    %cond3A_17 = arith.constant 0 : i32
    %cond3A_18 = arith.cmpi ne, %convert_element_type3A_16, %cond3A_17 : i32
    scf.if %cond3A_18 {
      %get3A_24 = arith.constant 0 : index
      %get3A_25 = arith.constant 0 : index
      %get3A_26 = vector.load %arg5[%get3A_24, %get3A_25] : memref<512x256xf32, #tpu.memory_space<vmem>>, vector<512x256xf32>
      %add3A_27 = arith.addf %get3A_26, %dot_general3A_10 : vector<512x256xf32>
      %swap3A = arith.constant 0 : index
      %swap3A_28 = arith.constant 0 : index
      %swap3A_29 = vector.load %arg5[%swap3A, %swap3A_28] : memref<512x256xf32, #tpu.memory_space<vmem>>, vector<512x256xf32>
      tpu.vector_store %arg5[%swap3A, %swap3A_28], %add3A_27 {strides = array<i32>} : memref<512x256xf32, #tpu.memory_space<vmem>>, vector<512x256xf32>,
    } else {
    }
    %eq3A_19 = arith.constant 7 : i32
    %eq3A_20 = arith.cmpi eq, %arg1, %eq3A_19 : i32
    %convert_element_type3A_21 = arith.extui %eq3A_20 : i1 to i32
    %cond3A_22 = arith.constant 0 : i32
    %cond3A_23 = arith.cmpi ne, %convert_element_type3A_21, %cond3A_22 : i32
    scf.if %cond3A_23 {
      %get3A_24 = arith.constant 0 : index
      %get3A_25 = arith.constant 0 : index
      %get3A_26 = vector.load %arg5[%get3A_24, %get3A_25] : memref<512x256xf32, #tpu.memory_space<vmem>>, vector<512x256xf32>
      %add3A_27 = arith.addf %get3A_26, %dot_general3A_10 : vector<512x256xf32>
      %get3A_28 = arith.constant 0 : index
      %get3A_29 = arith.constant 0 : index
      %get3A_30 = vector.load %arg4[%get3A_28, %get3A_29] : memref<512x1xf32, #tpu.memory_space<vmem>>, vector<512x1xf32>
      %mul3A_31 = vector.broadcast %get3A_30 : vector<512x1xf32> to vector<512x256xf32>
      %mul3A_32 = arith.mulf %add3A_27, %mul3A_31 : vector<512x256xf32>
      %swap3A = arith.constant 0 : index
      %swap3A_33 = arith.constant 0 : index
      %swap3A_34 = vector.load %arg5[%swap3A, %swap3A_33] : memref<512x256xf32, #tpu.memory_space<vmem>>, vector<512x256xf32>
      tpu.vector_store %arg5[%swap3A, %swap3A_33], %mul3A_32 {strides = array<i32>} : memref<512x256xf32, #tpu.memory_space<vmem>>, vector<512x256xf32>,
    } else {
    }
    return
  }
  func.func @transform_0(%arg0: i32, %arg1: i32) -> (i32, i32) {
    %c0_i32 = arith.constant 0 : i32
    %c0_i32_0 = arith.constant 0 : i32
    return %c0_i32, %arg1 : i32, i32
  }
  func.func @transform_1(%arg0: i32, %arg1: i32) -> (i32, i32) {
    %c0_i32 = arith.constant 0 : i32
    %c0_i32_0 = arith.constant 0 : i32
    return %arg1, %c0_i32 : i32, i32
  }
  func.func @transform_2(%arg0: i32, %arg1: i32) -> (i32, i32) {
    %c0_i32 = arith.constant 0 : i32
    %c0_i32_0 = arith.constant 0 : i32
    return %arg0, %c0_i32 : i32, i32
  }
  func.func @transform_3(%arg0: i32, %arg1: i32) -> (i32, i32) {
    %c0_i32 = arith.constant 0 : i32
    %c0_i32_0 = arith.constant 0 : i32
    return %arg0, %c0_i32 : i32, i32
  }
}

module attributes {stable_mosaic.version = 14 : i64} {
  func.func @_matmul_body(%arg0: i32, %arg1: i32, %arg2: i32, %arg3: memref<512x8x128xi32, #tpu.memory_space<vmem>>, %arg4: memref<512x8x128xi32, #tpu.memory_space<vmem>>, %arg5: memref<512x512xbf16, #tpu.memory_space<vmem>>) attributes {dimension_semantics = [#tpu.dimension_semantics<arbitrary>, #tpu.dimension_semantics<arbitrary>, #tpu.dimension_semantics<arbitrary>], iteration_bounds = array<i64: 4, 4, 2>, scalar_prefetch = 0 : i64, scratch_operands = 0 : i64, tpu.core_type = #tpu.core_type<tc>, window_params = [{transform_indices = @transform_0, window_bounds = array<i64: 512, 8, 128>}, {transform_indices = @transform_1, window_bounds = array<i64: 512, 8, 128>}, {transform_indices = @transform_2, window_bounds = array<i64: 512, 512>}]} {
    %eq3A = arith.constant 0 : i32
    %eq3A_0 = arith.cmpi eq, %arg2, %eq3A : i32
    %convert_element_type3A = arith.extui %eq3A_0 : i1 to i32
    %cond3A = arith.constant 0 : i32
    %cond3A_1 = arith.cmpi ne, %convert_element_type3A, %cond3A : i32
    scf.if %cond3A_1 {
      %broadcast_in_dim3A = arith.constant 0.000000e+00 : bf16
      %broadcast_in_dim3A_299 = vector.broadcast %broadcast_in_dim3A : bf16 to vector<512x512xbf16>
      %swap3A_300 = arith.constant 0 : index
      %swap3A_301 = arith.constant 0 : index
      %swap3A_302 = vector.load %arg5[%swap3A_300, %swap3A_301] : memref<512x512xbf16, #tpu.memory_space<vmem>>, vector<512x512xbf16>
      tpu.vector_store %arg5[%swap3A_300, %swap3A_301], %broadcast_in_dim3A_299 {strides = array<i32>} : memref<512x512xbf16, #tpu.memory_space<vmem>>, vector<512x512xbf16>,
    } else {
    }
    %get3A = arith.constant 0 : index
    %get3A_2 = arith.constant 0 : index
    %get3A_3 = arith.constant 0 : index
    %get3A_4 = vector.load %arg3[%get3A, %get3A_2, %get3A_3] : memref<512x8x128xi32, #tpu.memory_space<vmem>>, vector<512x1x128xi32>
    %get3A_5 = vector.shape_cast %get3A_4 : vector<512x1x128xi32> to vector<512x128xi32>
    %and3A = arith.constant 65535 : i32
    %and3A_6 = vector.broadcast %and3A : i32 to vector<512x128xi32>
    %and3A_7 = arith.andi %get3A_5, %and3A_6 : vector<512x128xi32>
    %convert_element_type3A_8 = arith.sitofp %and3A_7 : vector<512x128xi32> to vector<512x128xbf16>
    %shift_right_arithmetic3A = arith.constant 16 : i32
    %shift_right_arithmetic3A_9 = vector.broadcast %shift_right_arithmetic3A : i32 to vector<512x128xi32>
    %shift_right_arithmetic3A_10 = arith.shrsi %get3A_5, %shift_right_arithmetic3A_9 : vector<512x128xi32>
    %convert_element_type3A_11 = arith.sitofp %shift_right_arithmetic3A_10 : vector<512x128xi32> to vector<512x128xbf16>
    %concatenate3A = tpu.concatenate %convert_element_type3A_8, %convert_element_type3A_11 in 1 : vector<512x128xbf16>, vector<512x128xbf16> -> vector<512x256xbf16>
    %get3A_12 = arith.constant 0 : index
    %get3A_13 = arith.constant 0 : index
    %get3A_14 = arith.constant 0 : index
    %get3A_15 = vector.load %arg4[%get3A_12, %get3A_13, %get3A_14] : memref<512x8x128xi32, #tpu.memory_space<vmem>>, vector<512x1x128xi32>
    %get3A_16 = vector.shape_cast %get3A_15 : vector<512x1x128xi32> to vector<512x128xi32>
    %and3A_17 = arith.constant 65535 : i32
    %and3A_18 = vector.broadcast %and3A_17 : i32 to vector<512x128xi32>
    %and3A_19 = arith.andi %get3A_16, %and3A_18 : vector<512x128xi32>
    %convert_element_type3A_20 = arith.sitofp %and3A_19 : vector<512x128xi32> to vector<512x128xbf16>
    %shift_right_arithmetic3A_21 = arith.constant 16 : i32
    %shift_right_arithmetic3A_22 = vector.broadcast %shift_right_arithmetic3A_21 : i32 to vector<512x128xi32>
    %shift_right_arithmetic3A_23 = arith.shrsi %get3A_16, %shift_right_arithmetic3A_22 : vector<512x128xi32>
    %convert_element_type3A_24 = arith.sitofp %shift_right_arithmetic3A_23 : vector<512x128xi32> to vector<512x128xbf16>
    %concatenate3A_25 = tpu.concatenate %convert_element_type3A_20, %convert_element_type3A_24 in 1 : vector<512x128xbf16>, vector<512x128xbf16> -> vector<512x256xbf16>
    %dot_general3A = arith.constant dense<0.000000e+00> : vector<512x512xf32>
    %dot_general3A_26 = tpu.matmul %concatenate3A, %concatenate3A_25, %dot_general3A {dimension_numbers = #tpu.dot_dimension_numbers<[1], [1], [0], [0], [0, 0, 1, 0], [], []>, transpose_lhs_hint = false} : vector<512x256xbf16>, vector<512x256xbf16>, vector<512x512xf32> -> vector<512x512xf32>
    %get3A_27 = arith.constant 0 : index
    %get3A_28 = arith.constant 0 : index
    %get3A_29 = vector.load %arg5[%get3A_27, %get3A_28] : memref<512x512xbf16, #tpu.memory_space<vmem>>, vector<512x512xbf16>
    %convert_element_type3A_30 = arith.truncf %dot_general3A_26 : vector<512x512xf32> to vector<512x512xbf16>
    %add3A = arith.addf %get3A_29, %convert_element_type3A_30 : vector<512x512xbf16>
    %swap3A = arith.constant 0 : index
    %swap3A_31 = arith.constant 0 : index
    %swap3A_32 = vector.load %arg5[%swap3A, %swap3A_31] : memref<512x512xbf16, #tpu.memory_space<vmem>>, vector<512x512xbf16>
    tpu.vector_store %arg5[%swap3A, %swap3A_31], %add3A {strides = array<i32>} : memref<512x512xbf16, #tpu.memory_space<vmem>>, vector<512x512xbf16>,
    %get3A_33 = arith.constant 0 : index
    %get3A_34 = arith.constant 1 : index
    %get3A_35 = arith.constant 0 : index
    %get3A_36 = vector.load %arg3[%get3A_33, %get3A_34, %get3A_35] : memref<512x8x128xi32, #tpu.memory_space<vmem>>, vector<512x1x128xi32>
    %get3A_37 = vector.shape_cast %get3A_36 : vector<512x1x128xi32> to vector<512x128xi32>
    %and3A_38 = arith.constant 65535 : i32
    %and3A_39 = vector.broadcast %and3A_38 : i32 to vector<512x128xi32>
    %and3A_40 = arith.andi %get3A_37, %and3A_39 : vector<512x128xi32>
    %convert_element_type3A_41 = arith.sitofp %and3A_40 : vector<512x128xi32> to vector<512x128xbf16>
    %shift_right_arithmetic3A_42 = arith.constant 16 : i32
    %shift_right_arithmetic3A_43 = vector.broadcast %shift_right_arithmetic3A_42 : i32 to vector<512x128xi32>
    %shift_right_arithmetic3A_44 = arith.shrsi %get3A_37, %shift_right_arithmetic3A_43 : vector<512x128xi32>
    %convert_element_type3A_45 = arith.sitofp %shift_right_arithmetic3A_44 : vector<512x128xi32> to vector<512x128xbf16>
    %concatenate3A_46 = tpu.concatenate %convert_element_type3A_41, %convert_element_type3A_45 in 1 : vector<512x128xbf16>, vector<512x128xbf16> -> vector<512x256xbf16>
    %get3A_47 = arith.constant 0 : index
    %get3A_48 = arith.constant 1 : index
    %get3A_49 = arith.constant 0 : index
    %get3A_50 = vector.load %arg4[%get3A_47, %get3A_48, %get3A_49] : memref<512x8x128xi32, #tpu.memory_space<vmem>>, vector<512x1x128xi32>
    %get3A_51 = vector.shape_cast %get3A_50 : vector<512x1x128xi32> to vector<512x128xi32>
    %and3A_52 = arith.constant 65535 : i32
    %and3A_53 = vector.broadcast %and3A_52 : i32 to vector<512x128xi32>
    %and3A_54 = arith.andi %get3A_51, %and3A_53 : vector<512x128xi32>
    %convert_element_type3A_55 = arith.sitofp %and3A_54 : vector<512x128xi32> to vector<512x128xbf16>
    %shift_right_arithmetic3A_56 = arith.constant 16 : i32
    %shift_right_arithmetic3A_57 = vector.broadcast %shift_right_arithmetic3A_56 : i32 to vector<512x128xi32>
    %shift_right_arithmetic3A_58 = arith.shrsi %get3A_51, %shift_right_arithmetic3A_57 : vector<512x128xi32>
    %convert_element_type3A_59 = arith.sitofp %shift_right_arithmetic3A_58 : vector<512x128xi32> to vector<512x128xbf16>
    %concatenate3A_60 = tpu.concatenate %convert_element_type3A_55, %convert_element_type3A_59 in 1 : vector<512x128xbf16>, vector<512x128xbf16> -> vector<512x256xbf16>
    %dot_general3A_61 = arith.constant dense<0.000000e+00> : vector<512x512xf32>
    %dot_general3A_62 = tpu.matmul %concatenate3A_46, %concatenate3A_60, %dot_general3A_61 {dimension_numbers = #tpu.dot_dimension_numbers<[1], [1], [0], [0], [0, 0, 1, 0], [], []>, transpose_lhs_hint = false} : vector<512x256xbf16>, vector<512x256xbf16>, vector<512x512xf32> -> vector<512x512xf32>
    %get3A_63 = arith.constant 0 : index
    %get3A_64 = arith.constant 0 : index
    %get3A_65 = vector.load %arg5[%get3A_63, %get3A_64] : memref<512x512xbf16, #tpu.memory_space<vmem>>, vector<512x512xbf16>
    %convert_element_type3A_66 = arith.truncf %dot_general3A_62 : vector<512x512xf32> to vector<512x512xbf16>
    %add3A_67 = arith.addf %get3A_65, %convert_element_type3A_66 : vector<512x512xbf16>
    %swap3A_68 = arith.constant 0 : index
    %swap3A_69 = arith.constant 0 : index
    %swap3A_70 = vector.load %arg5[%swap3A_68, %swap3A_69] : memref<512x512xbf16, #tpu.memory_space<vmem>>, vector<512x512xbf16>
    tpu.vector_store %arg5[%swap3A_68, %swap3A_69], %add3A_67 {strides = array<i32>} : memref<512x512xbf16, #tpu.memory_space<vmem>>, vector<512x512xbf16>,
    %get3A_71 = arith.constant 0 : index
    %get3A_72 = arith.constant 2 : index
    %get3A_73 = arith.constant 0 : index
    %get3A_74 = vector.load %arg3[%get3A_71, %get3A_72, %get3A_73] : memref<512x8x128xi32, #tpu.memory_space<vmem>>, vector<512x1x128xi32>
    %get3A_75 = vector.shape_cast %get3A_74 : vector<512x1x128xi32> to vector<512x128xi32>
    %and3A_76 = arith.constant 65535 : i32
    %and3A_77 = vector.broadcast %and3A_76 : i32 to vector<512x128xi32>
    %and3A_78 = arith.andi %get3A_75, %and3A_77 : vector<512x128xi32>
    %convert_element_type3A_79 = arith.sitofp %and3A_78 : vector<512x128xi32> to vector<512x128xbf16>
    %shift_right_arithmetic3A_80 = arith.constant 16 : i32
    %shift_right_arithmetic3A_81 = vector.broadcast %shift_right_arithmetic3A_80 : i32 to vector<512x128xi32>
    %shift_right_arithmetic3A_82 = arith.shrsi %get3A_75, %shift_right_arithmetic3A_81 : vector<512x128xi32>
    %convert_element_type3A_83 = arith.sitofp %shift_right_arithmetic3A_82 : vector<512x128xi32> to vector<512x128xbf16>
    %concatenate3A_84 = tpu.concatenate %convert_element_type3A_79, %convert_element_type3A_83 in 1 : vector<512x128xbf16>, vector<512x128xbf16> -> vector<512x256xbf16>
    %get3A_85 = arith.constant 0 : index
    %get3A_86 = arith.constant 2 : index
    %get3A_87 = arith.constant 0 : index
    %get3A_88 = vector.load %arg4[%get3A_85, %get3A_86, %get3A_87] : memref<512x8x128xi32, #tpu.memory_space<vmem>>, vector<512x1x128xi32>
    %get3A_89 = vector.shape_cast %get3A_88 : vector<512x1x128xi32> to vector<512x128xi32>
    %and3A_90 = arith.constant 65535 : i32
    %and3A_91 = vector.broadcast %and3A_90 : i32 to vector<512x128xi32>
    %and3A_92 = arith.andi %get3A_89, %and3A_91 : vector<512x128xi32>
    %convert_element_type3A_93 = arith.sitofp %and3A_92 : vector<512x128xi32> to vector<512x128xbf16>
    %shift_right_arithmetic3A_94 = arith.constant 16 : i32
    %shift_right_arithmetic3A_95 = vector.broadcast %shift_right_arithmetic3A_94 : i32 to vector<512x128xi32>
    %shift_right_arithmetic3A_96 = arith.shrsi %get3A_89, %shift_right_arithmetic3A_95 : vector<512x128xi32>
    %convert_element_type3A_97 = arith.sitofp %shift_right_arithmetic3A_96 : vector<512x128xi32> to vector<512x128xbf16>
    %concatenate3A_98 = tpu.concatenate %convert_element_type3A_93, %convert_element_type3A_97 in 1 : vector<512x128xbf16>, vector<512x128xbf16> -> vector<512x256xbf16>
    %dot_general3A_99 = arith.constant dense<0.000000e+00> : vector<512x512xf32>
    %dot_general3A_100 = tpu.matmul %concatenate3A_84, %concatenate3A_98, %dot_general3A_99 {dimension_numbers = #tpu.dot_dimension_numbers<[1], [1], [0], [0], [0, 0, 1, 0], [], []>, transpose_lhs_hint = false} : vector<512x256xbf16>, vector<512x256xbf16>, vector<512x512xf32> -> vector<512x512xf32>
    %get3A_101 = arith.constant 0 : index
    %get3A_102 = arith.constant 0 : index
    %get3A_103 = vector.load %arg5[%get3A_101, %get3A_102] : memref<512x512xbf16, #tpu.memory_space<vmem>>, vector<512x512xbf16>
    %convert_element_type3A_104 = arith.truncf %dot_general3A_100 : vector<512x512xf32> to vector<512x512xbf16>
    %add3A_105 = arith.addf %get3A_103, %convert_element_type3A_104 : vector<512x512xbf16>
    %swap3A_106 = arith.constant 0 : index
    %swap3A_107 = arith.constant 0 : index
    %swap3A_108 = vector.load %arg5[%swap3A_106, %swap3A_107] : memref<512x512xbf16, #tpu.memory_space<vmem>>, vector<512x512xbf16>
    tpu.vector_store %arg5[%swap3A_106, %swap3A_107], %add3A_105 {strides = array<i32>} : memref<512x512xbf16, #tpu.memory_space<vmem>>, vector<512x512xbf16>,
    %get3A_109 = arith.constant 0 : index
    %get3A_110 = arith.constant 3 : index
    %get3A_111 = arith.constant 0 : index
    %get3A_112 = vector.load %arg3[%get3A_109, %get3A_110, %get3A_111] : memref<512x8x128xi32, #tpu.memory_space<vmem>>, vector<512x1x128xi32>
    %get3A_113 = vector.shape_cast %get3A_112 : vector<512x1x128xi32> to vector<512x128xi32>
    %and3A_114 = arith.constant 65535 : i32
    %and3A_115 = vector.broadcast %and3A_114 : i32 to vector<512x128xi32>
    %and3A_116 = arith.andi %get3A_113, %and3A_115 : vector<512x128xi32>
    %convert_element_type3A_117 = arith.sitofp %and3A_116 : vector<512x128xi32> to vector<512x128xbf16>
    %shift_right_arithmetic3A_118 = arith.constant 16 : i32
    %shift_right_arithmetic3A_119 = vector.broadcast %shift_right_arithmetic3A_118 : i32 to vector<512x128xi32>
    %shift_right_arithmetic3A_120 = arith.shrsi %get3A_113, %shift_right_arithmetic3A_119 : vector<512x128xi32>
    %convert_element_type3A_121 = arith.sitofp %shift_right_arithmetic3A_120 : vector<512x128xi32> to vector<512x128xbf16>
    %concatenate3A_122 = tpu.concatenate %convert_element_type3A_117, %convert_element_type3A_121 in 1 : vector<512x128xbf16>, vector<512x128xbf16> -> vector<512x256xbf16>
    %get3A_123 = arith.constant 0 : index
    %get3A_124 = arith.constant 3 : index
    %get3A_125 = arith.constant 0 : index
    %get3A_126 = vector.load %arg4[%get3A_123, %get3A_124, %get3A_125] : memref<512x8x128xi32, #tpu.memory_space<vmem>>, vector<512x1x128xi32>
    %get3A_127 = vector.shape_cast %get3A_126 : vector<512x1x128xi32> to vector<512x128xi32>
    %and3A_128 = arith.constant 65535 : i32
    %and3A_129 = vector.broadcast %and3A_128 : i32 to vector<512x128xi32>
    %and3A_130 = arith.andi %get3A_127, %and3A_129 : vector<512x128xi32>
    %convert_element_type3A_131 = arith.sitofp %and3A_130 : vector<512x128xi32> to vector<512x128xbf16>
    %shift_right_arithmetic3A_132 = arith.constant 16 : i32
    %shift_right_arithmetic3A_133 = vector.broadcast %shift_right_arithmetic3A_132 : i32 to vector<512x128xi32>
    %shift_right_arithmetic3A_134 = arith.shrsi %get3A_127, %shift_right_arithmetic3A_133 : vector<512x128xi32>
    %convert_element_type3A_135 = arith.sitofp %shift_right_arithmetic3A_134 : vector<512x128xi32> to vector<512x128xbf16>
    %concatenate3A_136 = tpu.concatenate %convert_element_type3A_131, %convert_element_type3A_135 in 1 : vector<512x128xbf16>, vector<512x128xbf16> -> vector<512x256xbf16>
    %dot_general3A_137 = arith.constant dense<0.000000e+00> : vector<512x512xf32>
    %dot_general3A_138 = tpu.matmul %concatenate3A_122, %concatenate3A_136, %dot_general3A_137 {dimension_numbers = #tpu.dot_dimension_numbers<[1], [1], [0], [0], [0, 0, 1, 0], [], []>, transpose_lhs_hint = false} : vector<512x256xbf16>, vector<512x256xbf16>, vector<512x512xf32> -> vector<512x512xf32>
    %get3A_139 = arith.constant 0 : index
    %get3A_140 = arith.constant 0 : index
    %get3A_141 = vector.load %arg5[%get3A_139, %get3A_140] : memref<512x512xbf16, #tpu.memory_space<vmem>>, vector<512x512xbf16>
    %convert_element_type3A_142 = arith.truncf %dot_general3A_138 : vector<512x512xf32> to vector<512x512xbf16>
    %add3A_143 = arith.addf %get3A_141, %convert_element_type3A_142 : vector<512x512xbf16>
    %swap3A_144 = arith.constant 0 : index
    %swap3A_145 = arith.constant 0 : index
    %swap3A_146 = vector.load %arg5[%swap3A_144, %swap3A_145] : memref<512x512xbf16, #tpu.memory_space<vmem>>, vector<512x512xbf16>
    tpu.vector_store %arg5[%swap3A_144, %swap3A_145], %add3A_143 {strides = array<i32>} : memref<512x512xbf16, #tpu.memory_space<vmem>>, vector<512x512xbf16>,
    %get3A_147 = arith.constant 0 : index
    %get3A_148 = arith.constant 4 : index
    %get3A_149 = arith.constant 0 : index
    %get3A_150 = vector.load %arg3[%get3A_147, %get3A_148, %get3A_149] : memref<512x8x128xi32, #tpu.memory_space<vmem>>, vector<512x1x128xi32>
    %get3A_151 = vector.shape_cast %get3A_150 : vector<512x1x128xi32> to vector<512x128xi32>
    %and3A_152 = arith.constant 65535 : i32
    %and3A_153 = vector.broadcast %and3A_152 : i32 to vector<512x128xi32>
    %and3A_154 = arith.andi %get3A_151, %and3A_153 : vector<512x128xi32>
    %convert_element_type3A_155 = arith.sitofp %and3A_154 : vector<512x128xi32> to vector<512x128xbf16>
    %shift_right_arithmetic3A_156 = arith.constant 16 : i32
    %shift_right_arithmetic3A_157 = vector.broadcast %shift_right_arithmetic3A_156 : i32 to vector<512x128xi32>
    %shift_right_arithmetic3A_158 = arith.shrsi %get3A_151, %shift_right_arithmetic3A_157 : vector<512x128xi32>
    %convert_element_type3A_159 = arith.sitofp %shift_right_arithmetic3A_158 : vector<512x128xi32> to vector<512x128xbf16>
    %concatenate3A_160 = tpu.concatenate %convert_element_type3A_155, %convert_element_type3A_159 in 1 : vector<512x128xbf16>, vector<512x128xbf16> -> vector<512x256xbf16>
    %get3A_161 = arith.constant 0 : index
    %get3A_162 = arith.constant 4 : index
    %get3A_163 = arith.constant 0 : index
    %get3A_164 = vector.load %arg4[%get3A_161, %get3A_162, %get3A_163] : memref<512x8x128xi32, #tpu.memory_space<vmem>>, vector<512x1x128xi32>
    %get3A_165 = vector.shape_cast %get3A_164 : vector<512x1x128xi32> to vector<512x128xi32>
    %and3A_166 = arith.constant 65535 : i32
    %and3A_167 = vector.broadcast %and3A_166 : i32 to vector<512x128xi32>
    %and3A_168 = arith.andi %get3A_165, %and3A_167 : vector<512x128xi32>
    %convert_element_type3A_169 = arith.sitofp %and3A_168 : vector<512x128xi32> to vector<512x128xbf16>
    %shift_right_arithmetic3A_170 = arith.constant 16 : i32
    %shift_right_arithmetic3A_171 = vector.broadcast %shift_right_arithmetic3A_170 : i32 to vector<512x128xi32>
    %shift_right_arithmetic3A_172 = arith.shrsi %get3A_165, %shift_right_arithmetic3A_171 : vector<512x128xi32>
    %convert_element_type3A_173 = arith.sitofp %shift_right_arithmetic3A_172 : vector<512x128xi32> to vector<512x128xbf16>
    %concatenate3A_174 = tpu.concatenate %convert_element_type3A_169, %convert_element_type3A_173 in 1 : vector<512x128xbf16>, vector<512x128xbf16> -> vector<512x256xbf16>
    %dot_general3A_175 = arith.constant dense<0.000000e+00> : vector<512x512xf32>
    %dot_general3A_176 = tpu.matmul %concatenate3A_160, %concatenate3A_174, %dot_general3A_175 {dimension_numbers = #tpu.dot_dimension_numbers<[1], [1], [0], [0], [0, 0, 1, 0], [], []>, transpose_lhs_hint = false} : vector<512x256xbf16>, vector<512x256xbf16>, vector<512x512xf32> -> vector<512x512xf32>
    %get3A_177 = arith.constant 0 : index
    %get3A_178 = arith.constant 0 : index
    %get3A_179 = vector.load %arg5[%get3A_177, %get3A_178] : memref<512x512xbf16, #tpu.memory_space<vmem>>, vector<512x512xbf16>
    %convert_element_type3A_180 = arith.truncf %dot_general3A_176 : vector<512x512xf32> to vector<512x512xbf16>
    %add3A_181 = arith.addf %get3A_179, %convert_element_type3A_180 : vector<512x512xbf16>
    %swap3A_182 = arith.constant 0 : index
    %swap3A_183 = arith.constant 0 : index
    %swap3A_184 = vector.load %arg5[%swap3A_182, %swap3A_183] : memref<512x512xbf16, #tpu.memory_space<vmem>>, vector<512x512xbf16>
    tpu.vector_store %arg5[%swap3A_182, %swap3A_183], %add3A_181 {strides = array<i32>} : memref<512x512xbf16, #tpu.memory_space<vmem>>, vector<512x512xbf16>,
    %get3A_185 = arith.constant 0 : index
    %get3A_186 = arith.constant 5 : index
    %get3A_187 = arith.constant 0 : index
    %get3A_188 = vector.load %arg3[%get3A_185, %get3A_186, %get3A_187] : memref<512x8x128xi32, #tpu.memory_space<vmem>>, vector<512x1x128xi32>
    %get3A_189 = vector.shape_cast %get3A_188 : vector<512x1x128xi32> to vector<512x128xi32>
    %and3A_190 = arith.constant 65535 : i32
    %and3A_191 = vector.broadcast %and3A_190 : i32 to vector<512x128xi32>
    %and3A_192 = arith.andi %get3A_189, %and3A_191 : vector<512x128xi32>
    %convert_element_type3A_193 = arith.sitofp %and3A_192 : vector<512x128xi32> to vector<512x128xbf16>
    %shift_right_arithmetic3A_194 = arith.constant 16 : i32
    %shift_right_arithmetic3A_195 = vector.broadcast %shift_right_arithmetic3A_194 : i32 to vector<512x128xi32>
    %shift_right_arithmetic3A_196 = arith.shrsi %get3A_189, %shift_right_arithmetic3A_195 : vector<512x128xi32>
    %convert_element_type3A_197 = arith.sitofp %shift_right_arithmetic3A_196 : vector<512x128xi32> to vector<512x128xbf16>
    %concatenate3A_198 = tpu.concatenate %convert_element_type3A_193, %convert_element_type3A_197 in 1 : vector<512x128xbf16>, vector<512x128xbf16> -> vector<512x256xbf16>
    %get3A_199 = arith.constant 0 : index
    %get3A_200 = arith.constant 5 : index
    %get3A_201 = arith.constant 0 : index
    %get3A_202 = vector.load %arg4[%get3A_199, %get3A_200, %get3A_201] : memref<512x8x128xi32, #tpu.memory_space<vmem>>, vector<512x1x128xi32>
    %get3A_203 = vector.shape_cast %get3A_202 : vector<512x1x128xi32> to vector<512x128xi32>
    %and3A_204 = arith.constant 65535 : i32
    %and3A_205 = vector.broadcast %and3A_204 : i32 to vector<512x128xi32>
    %and3A_206 = arith.andi %get3A_203, %and3A_205 : vector<512x128xi32>
    %convert_element_type3A_207 = arith.sitofp %and3A_206 : vector<512x128xi32> to vector<512x128xbf16>
    %shift_right_arithmetic3A_208 = arith.constant 16 : i32
    %shift_right_arithmetic3A_209 = vector.broadcast %shift_right_arithmetic3A_208 : i32 to vector<512x128xi32>
    %shift_right_arithmetic3A_210 = arith.shrsi %get3A_203, %shift_right_arithmetic3A_209 : vector<512x128xi32>
    %convert_element_type3A_211 = arith.sitofp %shift_right_arithmetic3A_210 : vector<512x128xi32> to vector<512x128xbf16>
    %concatenate3A_212 = tpu.concatenate %convert_element_type3A_207, %convert_element_type3A_211 in 1 : vector<512x128xbf16>, vector<512x128xbf16> -> vector<512x256xbf16>
    %dot_general3A_213 = arith.constant dense<0.000000e+00> : vector<512x512xf32>
    %dot_general3A_214 = tpu.matmul %concatenate3A_198, %concatenate3A_212, %dot_general3A_213 {dimension_numbers = #tpu.dot_dimension_numbers<[1], [1], [0], [0], [0, 0, 1, 0], [], []>, transpose_lhs_hint = false} : vector<512x256xbf16>, vector<512x256xbf16>, vector<512x512xf32> -> vector<512x512xf32>
    %get3A_215 = arith.constant 0 : index
    %get3A_216 = arith.constant 0 : index
    %get3A_217 = vector.load %arg5[%get3A_215, %get3A_216] : memref<512x512xbf16, #tpu.memory_space<vmem>>, vector<512x512xbf16>
    %convert_element_type3A_218 = arith.truncf %dot_general3A_214 : vector<512x512xf32> to vector<512x512xbf16>
    %add3A_219 = arith.addf %get3A_217, %convert_element_type3A_218 : vector<512x512xbf16>
    %swap3A_220 = arith.constant 0 : index
    %swap3A_221 = arith.constant 0 : index
    %swap3A_222 = vector.load %arg5[%swap3A_220, %swap3A_221] : memref<512x512xbf16, #tpu.memory_space<vmem>>, vector<512x512xbf16>
    tpu.vector_store %arg5[%swap3A_220, %swap3A_221], %add3A_219 {strides = array<i32>} : memref<512x512xbf16, #tpu.memory_space<vmem>>, vector<512x512xbf16>,
    %get3A_223 = arith.constant 0 : index
    %get3A_224 = arith.constant 6 : index
    %get3A_225 = arith.constant 0 : index
    %get3A_226 = vector.load %arg3[%get3A_223, %get3A_224, %get3A_225] : memref<512x8x128xi32, #tpu.memory_space<vmem>>, vector<512x1x128xi32>
    %get3A_227 = vector.shape_cast %get3A_226 : vector<512x1x128xi32> to vector<512x128xi32>
    %and3A_228 = arith.constant 65535 : i32
    %and3A_229 = vector.broadcast %and3A_228 : i32 to vector<512x128xi32>
    %and3A_230 = arith.andi %get3A_227, %and3A_229 : vector<512x128xi32>
    %convert_element_type3A_231 = arith.sitofp %and3A_230 : vector<512x128xi32> to vector<512x128xbf16>
    %shift_right_arithmetic3A_232 = arith.constant 16 : i32
    %shift_right_arithmetic3A_233 = vector.broadcast %shift_right_arithmetic3A_232 : i32 to vector<512x128xi32>
    %shift_right_arithmetic3A_234 = arith.shrsi %get3A_227, %shift_right_arithmetic3A_233 : vector<512x128xi32>
    %convert_element_type3A_235 = arith.sitofp %shift_right_arithmetic3A_234 : vector<512x128xi32> to vector<512x128xbf16>
    %concatenate3A_236 = tpu.concatenate %convert_element_type3A_231, %convert_element_type3A_235 in 1 : vector<512x128xbf16>, vector<512x128xbf16> -> vector<512x256xbf16>
    %get3A_237 = arith.constant 0 : index
    %get3A_238 = arith.constant 6 : index
    %get3A_239 = arith.constant 0 : index
    %get3A_240 = vector.load %arg4[%get3A_237, %get3A_238, %get3A_239] : memref<512x8x128xi32, #tpu.memory_space<vmem>>, vector<512x1x128xi32>
    %get3A_241 = vector.shape_cast %get3A_240 : vector<512x1x128xi32> to vector<512x128xi32>
    %and3A_242 = arith.constant 65535 : i32
    %and3A_243 = vector.broadcast %and3A_242 : i32 to vector<512x128xi32>
    %and3A_244 = arith.andi %get3A_241, %and3A_243 : vector<512x128xi32>
    %convert_element_type3A_245 = arith.sitofp %and3A_244 : vector<512x128xi32> to vector<512x128xbf16>
    %shift_right_arithmetic3A_246 = arith.constant 16 : i32
    %shift_right_arithmetic3A_247 = vector.broadcast %shift_right_arithmetic3A_246 : i32 to vector<512x128xi32>
    %shift_right_arithmetic3A_248 = arith.shrsi %get3A_241, %shift_right_arithmetic3A_247 : vector<512x128xi32>
    %convert_element_type3A_249 = arith.sitofp %shift_right_arithmetic3A_248 : vector<512x128xi32> to vector<512x128xbf16>
    %concatenate3A_250 = tpu.concatenate %convert_element_type3A_245, %convert_element_type3A_249 in 1 : vector<512x128xbf16>, vector<512x128xbf16> -> vector<512x256xbf16>
    %dot_general3A_251 = arith.constant dense<0.000000e+00> : vector<512x512xf32>
    %dot_general3A_252 = tpu.matmul %concatenate3A_236, %concatenate3A_250, %dot_general3A_251 {dimension_numbers = #tpu.dot_dimension_numbers<[1], [1], [0], [0], [0, 0, 1, 0], [], []>, transpose_lhs_hint = false} : vector<512x256xbf16>, vector<512x256xbf16>, vector<512x512xf32> -> vector<512x512xf32>
    %get3A_253 = arith.constant 0 : index
    %get3A_254 = arith.constant 0 : index
    %get3A_255 = vector.load %arg5[%get3A_253, %get3A_254] : memref<512x512xbf16, #tpu.memory_space<vmem>>, vector<512x512xbf16>
    %convert_element_type3A_256 = arith.truncf %dot_general3A_252 : vector<512x512xf32> to vector<512x512xbf16>
    %add3A_257 = arith.addf %get3A_255, %convert_element_type3A_256 : vector<512x512xbf16>
    %swap3A_258 = arith.constant 0 : index
    %swap3A_259 = arith.constant 0 : index
    %swap3A_260 = vector.load %arg5[%swap3A_258, %swap3A_259] : memref<512x512xbf16, #tpu.memory_space<vmem>>, vector<512x512xbf16>
    tpu.vector_store %arg5[%swap3A_258, %swap3A_259], %add3A_257 {strides = array<i32>} : memref<512x512xbf16, #tpu.memory_space<vmem>>, vector<512x512xbf16>,
    %get3A_261 = arith.constant 0 : index
    %get3A_262 = arith.constant 7 : index
    %get3A_263 = arith.constant 0 : index
    %get3A_264 = vector.load %arg3[%get3A_261, %get3A_262, %get3A_263] : memref<512x8x128xi32, #tpu.memory_space<vmem>>, vector<512x1x128xi32>
    %get3A_265 = vector.shape_cast %get3A_264 : vector<512x1x128xi32> to vector<512x128xi32>
    %and3A_266 = arith.constant 65535 : i32
    %and3A_267 = vector.broadcast %and3A_266 : i32 to vector<512x128xi32>
    %and3A_268 = arith.andi %get3A_265, %and3A_267 : vector<512x128xi32>
    %convert_element_type3A_269 = arith.sitofp %and3A_268 : vector<512x128xi32> to vector<512x128xbf16>
    %shift_right_arithmetic3A_270 = arith.constant 16 : i32
    %shift_right_arithmetic3A_271 = vector.broadcast %shift_right_arithmetic3A_270 : i32 to vector<512x128xi32>
    %shift_right_arithmetic3A_272 = arith.shrsi %get3A_265, %shift_right_arithmetic3A_271 : vector<512x128xi32>
    %convert_element_type3A_273 = arith.sitofp %shift_right_arithmetic3A_272 : vector<512x128xi32> to vector<512x128xbf16>
    %concatenate3A_274 = tpu.concatenate %convert_element_type3A_269, %convert_element_type3A_273 in 1 : vector<512x128xbf16>, vector<512x128xbf16> -> vector<512x256xbf16>
    %get3A_275 = arith.constant 0 : index
    %get3A_276 = arith.constant 7 : index
    %get3A_277 = arith.constant 0 : index
    %get3A_278 = vector.load %arg4[%get3A_275, %get3A_276, %get3A_277] : memref<512x8x128xi32, #tpu.memory_space<vmem>>, vector<512x1x128xi32>
    %get3A_279 = vector.shape_cast %get3A_278 : vector<512x1x128xi32> to vector<512x128xi32>
    %and3A_280 = arith.constant 65535 : i32
    %and3A_281 = vector.broadcast %and3A_280 : i32 to vector<512x128xi32>
    %and3A_282 = arith.andi %get3A_279, %and3A_281 : vector<512x128xi32>
    %convert_element_type3A_283 = arith.sitofp %and3A_282 : vector<512x128xi32> to vector<512x128xbf16>
    %shift_right_arithmetic3A_284 = arith.constant 16 : i32
    %shift_right_arithmetic3A_285 = vector.broadcast %shift_right_arithmetic3A_284 : i32 to vector<512x128xi32>
    %shift_right_arithmetic3A_286 = arith.shrsi %get3A_279, %shift_right_arithmetic3A_285 : vector<512x128xi32>
    %convert_element_type3A_287 = arith.sitofp %shift_right_arithmetic3A_286 : vector<512x128xi32> to vector<512x128xbf16>
    %concatenate3A_288 = tpu.concatenate %convert_element_type3A_283, %convert_element_type3A_287 in 1 : vector<512x128xbf16>, vector<512x128xbf16> -> vector<512x256xbf16>
    %dot_general3A_289 = arith.constant dense<0.000000e+00> : vector<512x512xf32>
    %dot_general3A_290 = tpu.matmul %concatenate3A_274, %concatenate3A_288, %dot_general3A_289 {dimension_numbers = #tpu.dot_dimension_numbers<[1], [1], [0], [0], [0, 0, 1, 0], [], []>, transpose_lhs_hint = false} : vector<512x256xbf16>, vector<512x256xbf16>, vector<512x512xf32> -> vector<512x512xf32>
    %get3A_291 = arith.constant 0 : index
    %get3A_292 = arith.constant 0 : index
    %get3A_293 = vector.load %arg5[%get3A_291, %get3A_292] : memref<512x512xbf16, #tpu.memory_space<vmem>>, vector<512x512xbf16>
    %convert_element_type3A_294 = arith.truncf %dot_general3A_290 : vector<512x512xf32> to vector<512x512xbf16>
    %add3A_295 = arith.addf %get3A_293, %convert_element_type3A_294 : vector<512x512xbf16>
    %swap3A_296 = arith.constant 0 : index
    %swap3A_297 = arith.constant 0 : index
    %swap3A_298 = vector.load %arg5[%swap3A_296, %swap3A_297] : memref<512x512xbf16, #tpu.memory_space<vmem>>, vector<512x512xbf16>
    tpu.vector_store %arg5[%swap3A_296, %swap3A_297], %add3A_295 {strides = array<i32>} : memref<512x512xbf16, #tpu.memory_space<vmem>>, vector<512x512xbf16>,
    return
  }
  func.func @transform_0(%arg0: i32, %arg1: i32, %arg2: i32) -> (i32, i32, i32) {
    %c0_i32 = arith.constant 0 : i32
    %c0_i32_0 = arith.constant 0 : i32
    return %arg0, %arg2, %c0_i32 : i32, i32, i32
  }
  func.func @transform_1(%arg0: i32, %arg1: i32, %arg2: i32) -> (i32, i32, i32) {
    %c0_i32 = arith.constant 0 : i32
    %c0_i32_0 = arith.constant 0 : i32
    return %arg1, %arg2, %c0_i32 : i32, i32, i32
  }
  func.func @transform_2(%arg0: i32, %arg1: i32, %arg2: i32) -> (i32, i32) {
    %c0_i32 = arith.constant 0 : i32
    return %arg0, %arg1 : i32, i32
  }
}

module attributes {stable_mosaic.version = 14 : i64} {
  func.func @_norm_body(%arg0: i32, %arg1: memref<256x2048xbf16, #tpu.memory_space<vmem>>, %arg2: memref<256x2048xf32, #tpu.memory_space<vmem>>) attributes {dimension_semantics = [#tpu.dimension_semantics<arbitrary>], iteration_bounds = array<i64: 8>, scalar_prefetch = 0 : i64, scratch_operands = 0 : i64, tpu.core_type = #tpu.core_type<tc>, window_params = [{transform_indices = @transform_0, window_bounds = array<i64: 256, 2048>}, {transform_indices = @transform_1, window_bounds = array<i64: 256, 2048>}]} {
    %broadcast_in_dim3A = arith.constant 0.000000e+00 : f32
    %broadcast_in_dim3A_0 = vector.broadcast %broadcast_in_dim3A : f32 to vector<256x1xf32>
    %scan3A = arith.constant 0 : i32
    %scan3A_1 = arith.constant 4 : i32
    %scan3A_2 = arith.addi %scan3A, %scan3A_1 : i32
    %scan3A_3 = arith.constant 1 : i32
    %scan3A_4 = scf.for %scan3A_13 = %scan3A to %scan3A_2 step %scan3A_3 iter_args(%scan3A_14 = %broadcast_in_dim3A_0) -> (vector<256x1xf32>)  : i32 {
      %mul3A = arith.constant 512 : i32
      %mul3A_15 = arith.muli %scan3A_13, %mul3A : i32
      %get3A = arith.constant 0 : index
      %get3A_16 = arith.index_cast %mul3A_15 : i32 to index
      %get3A_17 = vector.load %arg1[%get3A, %get3A_16] : memref<256x2048xbf16, #tpu.memory_space<vmem>>, vector<256x512xbf16>
      %gt3A = arith.constant 0.000000e+00 : bf16
      %gt3A_18 = vector.broadcast %gt3A : bf16 to vector<256x512xbf16>
      %gt3A_19 = arith.cmpf ogt, %get3A_17, %gt3A_18 : vector<256x512xbf16>
      %convert_element_type3A = arith.extui %gt3A_19 : vector<256x512xi1> to vector<256x512xi32>
      %convert_element_type3A_20 = arith.sitofp %convert_element_type3A : vector<256x512xi32> to vector<256x512xf32>
      %reduce_sum3A = arith.constant dense<0.000000e+00> : vector<256xf32>
      %reduce_sum3A_21 = vector.multi_reduction <add>, %convert_element_type3A_20, %reduce_sum3A [1] : vector<256x512xf32> to vector<256xf32>
      %broadcast_in_dim3A_22 = vector.shape_cast %reduce_sum3A_21 : vector<256xf32> to vector<256x1xf32>
      %add3A = arith.addf %scan3A_14, %broadcast_in_dim3A_22 : vector<256x1xf32>
      scf.yield %add3A : vector<256x1xf32>
    }
    %scan3A_5 = arith.constant 4 : i32
    %div3A = arith.constant 1.000000e+00 : f32
    %div3A_6 = vector.broadcast %div3A : f32 to vector<256x1xf32>
    %div3A_7 = arith.divf %div3A_6, %scan3A_4 : vector<256x1xf32>
    %scan3A_8 = arith.constant 0 : i32
    %scan3A_9 = arith.constant 4 : i32
    %scan3A_10 = arith.addi %scan3A_8, %scan3A_9 : i32
    %scan3A_11 = arith.constant 1 : i32
    scf.for %scan3A_13 = %scan3A_8 to %scan3A_10 step %scan3A_11  : i32 {
      %mul3A = arith.constant 512 : i32
      %mul3A_14 = arith.muli %scan3A_13, %mul3A : i32
      %get3A = arith.constant 0 : index
      %get3A_15 = arith.index_cast %mul3A_14 : i32 to index
      %get3A_16 = vector.load %arg1[%get3A, %get3A_15] : memref<256x2048xbf16, #tpu.memory_space<vmem>>, vector<256x512xbf16>
      %gt3A = arith.constant 0.000000e+00 : bf16
      %gt3A_17 = vector.broadcast %gt3A : bf16 to vector<256x512xbf16>
      %gt3A_18 = arith.cmpf ogt, %get3A_16, %gt3A_17 : vector<256x512xbf16>
      %convert_element_type3A = arith.extui %gt3A_18 : vector<256x512xi1> to vector<256x512xi32>
      %convert_element_type3A_19 = arith.sitofp %convert_element_type3A : vector<256x512xi32> to vector<256x512xf32>
      %mul3A_20 = vector.broadcast %div3A_7 : vector<256x1xf32> to vector<256x512xf32>
      %mul3A_21 = arith.mulf %convert_element_type3A_19, %mul3A_20 : vector<256x512xf32>
      %mul3A_22 = arith.constant 512 : i32
      %mul3A_23 = arith.muli %scan3A_13, %mul3A_22 : i32
      %swap3A = arith.constant 0 : index
      %swap3A_24 = arith.index_cast %mul3A_23 : i32 to index
      %swap3A_25 = vector.load %arg2[%swap3A, %swap3A_24] : memref<256x2048xf32, #tpu.memory_space<vmem>>, vector<256x512xf32>
      tpu.vector_store %arg2[%swap3A, %swap3A_24], %mul3A_21 {strides = array<i32>} : memref<256x2048xf32, #tpu.memory_space<vmem>>, vector<256x512xf32>,
    }
    %scan3A_12 = arith.constant 4 : i32
    return
  }
  func.func @transform_0(%arg0: i32) -> (i32, i32) {
    %c0_i32 = arith.constant 0 : i32
    %c0_i32_0 = arith.constant 0 : i32
    return %arg0, %c0_i32 : i32, i32
  }
  func.func @transform_1(%arg0: i32) -> (i32, i32) {
    %c0_i32 = arith.constant 0 : i32
    %c0_i32_0 = arith.constant 0 : i32
    return %arg0, %c0_i32 : i32, i32
  }
}

</mosaic_0001>

<sc_bundles>
// kernel: kernel.10.cloned.1.call-start
scs
__scs_entry_jumppad:
0x0: {  	(pc) =	sbr.rel $0x88, $3  }
0x1: {  	(tag) =	ssettag $0x0;
	lr =	simm.s32 $0x1  }
0x2: {  	[smem:$0x3F9D] =	sst lr;
	_ =	strace $0xD0000000  }
0x3: {  	_ = 	snop  }
0x4: {  	_ = 	snop  }
0x5: {  	_ = 	snop  }
0x6: {  	_ = 	snop  }
0x7: {  	_ = 	snop  }
__scs_overlays_trampoline_lowered:
0x8: {  	[smem:$0x3FAC] =	sst s0  }
0x9: {  	[smem:$0x3FAD] =	sst s1  }
0xa: {  	[smem:$0x3FAE] =	sst s2  }
0xb: {  	[smem:$0x3FAF] =	sst s3  }
0xc: {  	[smem:$0x3FB0] =	sst s4  }
0xd: {  	[smem:$0x3FB1] =	sst s5  }
0xe: {  	[smem:$0x3FB2] =	sst s6  }
0xf: {  	[smem:$0x3FB3] =	sst s7  }
0x10: {  	[smem:$0x3FB4] =	sst s8  }
0x11: {  	[smem:$0x3FB5] =	sst s9;
	s0 =	simm.s32 @!p0 $0x0  }
0x12: {  	s1 =	sld [smem:$0x3F9B];
	s0 =	simm.s32 @p0 $0x1  }
0x13: {  	[smem:$0x3FB6] =	sst s0;
	s0 =	simm.s32 @!p1 $0x0  }
0x14: {  	s2 =	sld [smem:$0x3F9A];
	s0 =	simm.s32 @p1 $0x1  }
0x15: {  	[smem:$0x3FB7] =	sst s0;
	s0 =	simm.s32 @!p2 $0x0  }
0x16: {  	s3 =	sld [smem:$0x3FDB];
	s0 =	simm.s32 @p2 $0x1  }
0x17: {  	s4 =	simm.s32 $0x1BF5;
	[smem:$0x3FB9] =	sst s0  }
0x18: {  	s0 =	sld [smem:$0x3F9C];
	_ =	swait.ge [sflag:s4], $0x0  }
0x19: {  	s7 =	sld [smem:$0x3F9D]  }
0x1a: {  	s8 =	sadd.s32 $0xFFFFE003, lr  }
0x1b: {  	s9 =	sadd.s32 $0xFFFFFEF7, lr;
	s5 =	simm.s32 $0xFFFFFFFF;
	p2 =	slt.u32 s8, $0xFFFFF086  }
0x1c: {  	p1 =	slt.u32 s9, $0xF7A;
	s5 =	simm.s32 @!p2 $0x0  }
0x1d: {  	s5 =	simm.s32 @p1 $0x1;
	p0 =	seq.s32 s7, s2  }
0x1e: {  	s7 =	smul.u32 @!p0 $0xF7A, s2;
	p2 =	seq.s32 @!p0 s5, $0x0  }
0x1f: {  	s9 =	smul.u32 $0xF7A, s1;
	s8 =	simm.s32 @!p0 $0x1BF5;
	p2 =	por !p2, p0  }
0x20: {  	[sflag:s8] =	ssyncset.s32 @!p0 $0xFFFFF086;
	s6 =	sadd.s32 @!p0 s3, s7;
	s7 =	simm.s32 @!p0 $0x108  }
0x21: {  	s3 =	sadd.s32 s3, s9;
	s6 =	sadd.s32 @!p0 $0x88, s6;
	s7 =	simm.s32 @p2 $0x1082  }
0x22: {  	[simem:s7], [sflag:s8] =	dma.local @!p0 [hbm:s6], $0xF7A  }
0x23: {  	s9 =	sor.u32 $0xD0000000, s2;
	s6 =	simm.s32 $0x108;
	_ =	swait.ge @!p0 [sflag:s8], $0x0  }
0x24: {  	s3 =	sadd.s32 $0x88, s3;
	s6 =	simm.s32 @!p1 $0x1082;
	[sflag:s4] =	ssyncset.s32 $0xFFFFF086  }
0x25: {  	[simem:s6], [sflag:s4] =	dma.local [hbm:s3], $0xF7A  }
0x26: {  	[smem:$0x3F9D] =	sst s1;
	(tag) =	ssettag s2;
	_ =	strace s9  }
0x27: {  	s1 =	sld [smem:$0x3FAD]  }
0x28: {  	s2 =	sld [smem:$0x3FAE]  }
0x29: {  	s4 =	sld [smem:$0x3FB0]  }
0x2a: {  	p0 =	seq.s32 s5, $0x0;
	s5 =	sld [smem:$0x3FB1]  }
0x2b: {  	s6 =	sld [smem:$0x3FB2]  }
0x2c: {  	s7 =	sld [smem:$0x3FB3]  }
0x2d: {  	s3 =	simm.s32 $0x108;
	s8 =	sld [smem:$0x3FB4]  }
0x2e: {  	s3 =	simm.s32 @!p0 $0x1082;
	s9 =	sld [smem:$0x3FB5]  }
0x2f: {  	lr =	sadd.s32 s0, s3;
	s0 =	sld [smem:$0x3FAC]  }
0x30: {  	s3 =	sld [smem:$0x3FAF]  }
0x31: {  	[smem:$0x3FB8] =	sst s10  }
0x32: {  	s10 =	sld [smem:$0x3FB6];
	_ =	sdelay $0x3  }
0x33: {  	p0 =	seq.s32 s10, $0x1;
	s10 =	sld [smem:$0x3FB8];
	_ =	sdelay $0x3  }
0x34: {  	[smem:$0x3FB8] =	sst s10  }
0x35: {  	s10 =	sld [smem:$0x3FB7];
	_ =	sdelay $0x3  }
0x36: {  	p1 =	seq.s32 s10, $0x1;
	s10 =	sld [smem:$0x3FB8];
	_ =	sdelay $0x3  }
0x37: {  	[smem:$0x3FB8] =	sst s10  }
0x38: {  	s10 =	sld [smem:$0x3FB9]  }
0x39: {  	_ = 	snop;
	(pc) =	sbr.ind lr, $3  }
0x3a: {  	_ = 	snop  }
0x3b: {  	_ = 	snop  }
0x3c: {  	p2 =	seq.s32 s10, $0x1;
	s10 =	sld [smem:$0x3FB8]  }
0x3d: {  	_ =	shalt  }
0x3e: {  	_ =	shalt  }
0x3f: {  	_ =	shalt  }
0x40: {  	_ =	shalt  }
0x41: {  	_ =	shalt  }
0x42: {  	_ =	shalt  }
0x43: {  	_ =	shalt  }
0x44: {  	_ =	shalt  }
0x45: {  	_ =	shalt  }
0x46: {  	_ =	shalt  }
0x47: {  	_ =	shalt  }
0x48: {  	_ =	shalt  }
0x49: {  	_ =	shalt  }
0x4a: {  	_ =	shalt  }
0x4b: {  	_ =	shalt  }
0x4c: {  	_ =	shalt  }
0x4d: {  	_ =	shalt  }
0x4e: {  	_ =	shalt  }
0x4f: {  	_ =	shalt  }
0x50: {  	_ =	shalt  }
0x51: {  	_ =	shalt  }
0x52: {  	_ =	shalt  }
0x53: {  	_ =	shalt  }
0x54: {  	_ =	shalt  }
0x55: {  	_ =	shalt  }
0x56: {  	_ =	shalt  }
0x57: {  	_ =	shalt  }
0x58: {  	_ =	shalt  }
0x59: {  	_ =	shalt  }
0x5a: {  	_ =	shalt  }
0x5b: {  	_ =	shalt  }
0x5c: {  	_ =	shalt  }
0x5d: {  	_ =	shalt  }
0x5e: {  	_ =	shalt  }
0x5f: {  	_ =	shalt  }
0x60: {  	_ =	shalt  }
0x61: {  	_ =	shalt  }
0x62: {  	_ =	shalt  }
0x63: {  	_ =	shalt  }
0x64: {  	_ =	shalt  }
0x65: {  	_ =	shalt  }
0x66: {  	_ =	shalt  }
0x67: {  	_ =	shalt  }
0x68: {  	_ =	shalt  }
0x69: {  	_ =	shalt  }
0x6a: {  	_ =	shalt  }
0x6b: {  	_ =	shalt  }
0x6c: {  	_ =	shalt  }
0x6d: {  	_ =	shalt  }
0x6e: {  	_ =	shalt  }
0x6f: {  	_ =	shalt  }
0x70: {  	_ =	shalt  }
0x71: {  	_ =	shalt  }
0x72: {  	_ =	shalt  }
0x73: {  	_ =	shalt  }
0x74: {  	_ =	shalt  }
0x75: {  	_ =	shalt  }
0x76: {  	_ =	shalt  }
0x77: {  	_ =	shalt  }
0x78: {  	_ =	shalt  }
0x79: {  	_ =	shalt  }
0x7a: {  	_ =	shalt  }
0x7b: {  	_ =	shalt  }
0x7c: {  	_ =	shalt  }
0x7d: {  	_ =	shalt  }
0x7e: {  	_ =	shalt  }
0x7f: {  	_ =	shalt  }
0x80: {  	_ =	shalt  }
0x81: {  	_ =	shalt  }
0x82: {  	_ =	shalt  }
0x83: {  	_ =	shalt  }
0x84: {  	_ =	shalt  }
0x85: {  	_ =	shalt  }
0x86: {  	_ =	shalt  }
0x87: {  	_ =	shalt  }
.Lfunc_end0:
.L_simem_size_0:
called_computation_lowered:
.L_overlay_start_0:
0x88: {  	s2 =	sld [smem:$0x3FD9]  }
0x89: {  	s3 =	sld [smem:$0x3FFE];
	_ =	sdelay $0x1  }
0x8a: {  	s1 =	srdreg.scid  }
0x8b: {  	s0 =	sand.u32 $0x1, s1  }
0x8c: {  	s14 =	sshll.u32 s0, $0xA;
	s2 =	sadd.s32 s3, s2  }
0x8d: {  	s2 =	sadd.s32 s2, s14  }
0x8e: {  	[smem:$0x3FC4] =	sst s2  }
0x8f: {  	_ = 	snop  }
0x90: {  	s2 =	sld [smem:$0x3FD0];
	_ =	sdelay $0x2  }
0x91: {  	s15 =	simm.s32 $0xA;
	s4 =	simm.s32 $0x10  }
0x92: {  	[smem:s4], [sflag:s15] =	dma.local [hbm:s2], $0x1  }
0x93: {  	_ =	swait.eq [sflag:s15], $0x1  }
0x94: {  	[sflag:s15] =	ssyncset.done $0x0  }
0x95: {  	s16 =	sld [smem:$0x10];
	[sflag:s15] =	ssyncadd.s32 $0xFFFFFFFF  }
0x96: {  	s17 =	sld [smem:$0x12];
	(tm) =	ssettm $0x1  }
0x97: {  	s18 =	sld [smem:$0x3FFB];
	_ =	sdelay $0x3  }
0x98: {  	_ =	strace s18  }
0x99: {  	s4 =	sld [smem:$0x3FFC];
	_ =	sdelay $0x3  }
0x9a: {  	_ =	strace s4  }
0x9b: {  	s4 =	sld [smem:$0x3FFD];
	_ =	sdelay $0x3  }
0x9c: {  	_ =	strace s4  }
0x9d: {  	_ =	strace $0x8FFFFFFF  }
0x9e: {  	s19 =	sld [smem:$0x3FDB];
	_ =	sdelay $0x1  }
0x9f: {  	s5 =	simm.s32 $_scs_section_size  }
0xa0: {  	s6 =	simm.s32 $_size__tile_overlayer_lowered;
	s7 =	simm.s32 $_tile_overlayer_lowered  }
0xa1: {  	s22 =	simm.s32 $0x1BFF;
	s21 =	sshll.u32 s7, $0x1;
	s4 =	sadd.s32 s5, s19  }
0xa2: {  	s8 =	simm.s32 $0x0;
	s20 =	sshll.u32 s6, $0x1;
	s6 =	sadd.s32 s21, s4  }
0xa3: {  	[timem:s8], [sflag:s22] =	dma.local [hbm:s6], s20  }
0xa4: {  	_ =	swait.ge [sflag:s22], s20  }
0xa5: {  	s5 =	ssub.s32 $0x0, s20;
	[sflag:s22] =	ssyncset.done $0x0  }
0xa6: {  	[sflag:s22] =	ssyncadd.s32 s5;
	_ =	sdelay $0x1  }
0xa7: {  	s23 =	simm.s32 $0x1B8B  }
0xa8: {  	_ =	swait.ge [sflag:s23], $0x1  }
0xa9: {  	[sflag:s23] =	ssyncset.done $0x0  }
0xaa: {  	s25 =	simm.s32 $0x1B8E;
	s24 =	sld [smem:$0x3FFE];
	[sflag:s23] =	ssyncadd.s32 $0xFFFFFFFF  }
0xab: {  	s26 =	simm.s32 $execute0_lowered;
	[smem:$0x3FD2] =	sst s25  }
0xac: {  	s6 =	sshll.u32 s26, $0x1;
	_ =	strace $0x80000046;
	[dreg:$0x1] =	wrdreg $0xFFFFFFFF  }
0xad: {  	s28 =	simm.s32 $_size_execute0_lowered;
	s4 =	sadd.s32 s4, s6;
	[dreg:$0x0] =	wrdreg $0x0  }
0xae: {  	s6 =	sshll.u32 s28, $0x1;
	[dreg:$0x2] =	wrdreg s4  }
0xaf: {  	[dreg:$0x3] =	wrdreg s6  }
0xb0: {  	[dreg:$0x4] =	wrdreg $0xC0  }
0xb1: {  	_ =	task [dreg:s8], $0x5FFFF  }
0xb2: {  	[dreg:$0x1] =	wrdreg $0xFFFFFFFF  }
0xb3: {  	[dreg:$0x0] =	wrdreg $0x60  }
0xb4: {  	[dreg:$0x2] =	wrdreg s17  }
0xb5: {  	[dreg:$0x3] =	wrdreg s24  }
0xb6: {  	[dreg:$0x4] =	wrdreg s16  }
0xb7: {  	[dreg:$0x5] =	wrdreg $0x9  }
0xb8: {  	_ =	task.clear_ibuf [dreg:s8], $0x6FFFF;
	_ =	strace $0x90000046  }
0xb9: {  	s29 =	simm.s32 $0x9;
	_ =	strace $0x80000048  }
0xba: {  	_ =	swait.ge [sflag:s29], $0x1  }
0xbb: {  	[sflag:s29] =	ssyncadd.s32 $0xFFFFFFFF  }
0xbc: {  	_ =	strace $0x90000048  }
0xbd: {  	_ =	sfence  }
0xbe: {  	s30 =	sld [smem:$0x0];
	_ =	sdelay $0x2  }
0xbf: {  	s31 =	sshll.u32 s1, $0xD;
	s1 =	sshrl.u32 s1, $0x2  }
0xc0: {  	s3 =	sand.u32 $0x4000, s31;
	s1 =	sadd.s32 s1, s30  }
0xc1: {  	s0 =	sor.u32 s3, s0;
	s1 =	sshll.u32 s1, $0x11  }
0xc2: {  	s0 =	sor.u32 s1, s0  }
0xc3: {  	s0 =	sadd.s32 $0x8F2B, s0  }
0xc4: {  	[sflag:s0] =	ssyncadd.remote.s32 $0x1  }
0xc5: {  	_ =	sfence.sel $0xFFFF  }
0xc6: {  	[dreg:$0x0] =	wrdreg $0xFFFFFFFF;
	(pc) =	sbr.abs _section_cstart, $3  }
0xc7: {  	[dreg:$0x1] =	wrdreg $0xFFFFFFFF  }
0xc8: {  	_ =	task.clear_ibuf [dreg:s8], $0x2FFFF;
	_ =	strace $0x9FFFFFFF  }
0xc9: {  	(tm) =	ssettm $0x7FFFFFFF  }
tec
execute0_lowered:
.L_overlay_start_1:
0x0: {  	(tag) =	ssettag $0x1  }
0x1: {  	s12 =	rddreg [dreg:$0x0];
	s1 =	srdreg.scid  }
0x2: {  	s11 =	rddreg [dreg:$0x1];
	s0 =	stileid.u32;
	s14 =	sand.u32 $0x1, s1  }
0x3: {  	s13 =	rddreg [dreg:$0x2];
	s3 =	sshll.u32 s0, $0x7;
	s4 =	sshll.u32 s14, $0x6  }
0x4: {  	s2 =	simm.s32 $0x0;
	s1 =	rddreg [dreg:$0x3];
	s15 =	sor.u32 s4, s3  }
0x5: {  	[smem:$0x7FF] =	sst s2;
	s3 =	sshrl.u32 s15, $0x3  }
0x6: {  	_ =	strace $0x80000047;
	s4 =	sadd.s32 s12, s3;
	s3 =	simm.s32 $0x2  }
0x7: {  	[tilespmem:s2], [sflag:$0x2] =	stream.linear.gather [hbm4b:s4+s2], $0x20, $0x38;
	[tilespmem:$0x10080] =	vst v63  }
0x8: {  	_ =	swait.ge [sflag:s3], $0x20  }
0x9: {  	s6 =	simm.s32 $0x20;
	s7 =	simm.s32 $0x80;
	[sflag:s3] =	ssyncset.done $0x0  }
0xa: {  	s8 =	simm.s32 $0x1;
	s5 =	sadd.s32 $0x600, s11;
	[sflag:s3] =	ssyncadd.s32 $0xFFFFFFE0  }
0xb: {  	[tilespmem:s7], [sflag:$0x1] =	stream.indirect.gather [hbm4b:s5+s6], $0x800, s2, s6, $0xb8;
	[tilespmem:$0x10080] =	vst v63  }
0xc: {  	_ =	swait.ge [sflag:s8], $0x10000  }
0xd: {  	s16 =	sshll.u32 s15, $0x8;
	[sflag:s8] =	ssyncset.done $0x0  }
0xe: {  	s9 =	sadd.s32 s13, s16;
	[sflag:s8] =	ssyncadd.s32 $0xFFFF0000  }
0xf: {  	[hbm4b:s9+s2] =	stream.linear.scatter [tilespmem:s7], [sflag:$0x2], $0x10000, $0x38;
	[tilespmem:$0x10080] =	vst v63  }
0x10: {  	_ =	swait.ge [sflag:s3], $0x10000  }
0x11: {  	[sflag:s3] =	ssyncset.done $0x0  }
0x12: {  	s10 =	sadd.s32 $0x100600, s11;
	[sflag:s3] =	ssyncadd.s32 $0xFFFF0000  }
0x13: {  	[tilespmem:s7], [sflag:$0x1] =	stream.indirect.gather [hbm4b:s10+s6], $0x800, s2, s6, $0xb8;
	[tilespmem:$0x10080] =	vst v63  }
0x14: {  	_ =	swait.ge [sflag:s8], $0x10000  }
0x15: {  	s17 =	sadd.s32 $0x200600, s11;
	[sflag:s8] =	ssyncset.done $0x0  }
0x16: {  	s11 =	sadd.s32 s17, s16;
	[sflag:s8] =	ssyncadd.s32 $0xFFFF0000  }
0x17: {  	[hbm4b:s11+s2] =	stream.linear.scatter [tilespmem:s7], [sflag:$0x2], $0x10000, $0x38;
	[tilespmem:$0x10080] =	vst v63  }
0x18: {  	s15 =	sor.u32 $0x20, s15;
	_ =	swait.ge [sflag:s3], $0x10000  }
0x19: {  	s29 =	sshrl.u32 s15, $0x3;
	[sflag:s3] =	ssyncset.done $0x0  }
0x1a: {  	s12 =	sadd.s32 s12, s29;
	[sflag:s3] =	ssyncadd.s32 $0xFFFF0000  }
0x1b: {  	[tilespmem:s2], [sflag:$0x2] =	stream.linear.gather [hbm4b:s12+s2], $0x20, $0x38;
	[tilespmem:$0x10080] =	vst v63  }
0x1c: {  	_ =	swait.ge [sflag:s3], $0x20  }
0x1d: {  	[sflag:s3] =	ssyncset.done $0x0  }
0x1e: {  	[sflag:s3] =	ssyncadd.s32 $0xFFFFFFE0  }
0x1f: {  	[tilespmem:s7], [sflag:$0x1] =	stream.indirect.gather [hbm4b:s5+s6], $0x800, s2, s6, $0xb8;
	[tilespmem:$0x10080] =	vst v63  }
0x20: {  	_ =	swait.ge [sflag:s8], $0x10000  }
0x21: {  	s15 =	sshll.u32 s15, $0x8;
	[sflag:s8] =	ssyncset.done $0x0  }
0x22: {  	s14 =	ssub.s32 $0x2, s14;
	s13 =	sadd.s32 s13, s15;
	[sflag:s8] =	ssyncadd.s32 $0xFFFF0000  }
0x23: {  	[hbm4b:s13+s2] =	stream.linear.scatter [tilespmem:s7], [sflag:$0x2], $0x10000, $0x38;
	[tilespmem:$0x10080] =	vst v63  }
0x24: {  	s30 =	sshrl.u32 s14, $0x1;
	_ =	swait.ge [sflag:s3], $0x10000  }
0x25: {  	s16 =	ssub.s32 s14, s30;
	[sflag:s3] =	ssyncset.done $0x0  }
0x26: {  	s31 =	smax.u32 s16, $0x1;
	[sflag:s3] =	ssyncadd.s32 $0xFFFF0000  }
0x27: {  	[tilespmem:s7], [sflag:$0x1] =	stream.indirect.gather [hbm4b:s10+s6], $0x800, s2, s6, $0xb8;
	[tilespmem:$0x10080] =	vst v63  }
0x28: {  	p0 =	sne.s32 s31, $0x1;
	_ =	swait.ge [sflag:s8], $0x10000  }
.Ltmp0:
0x29: {  	[sflag:s8] =	ssyncset.done $0x0;
	(pc) =	sbr.rel @!p0 .LBB2_2-.Ltmp0, $4  }
0x2a: {  	s14 =	sadd.s32 s17, s15;
	[sflag:s8] =	ssyncadd.s32 $0xFFFF0000  }
0x2b: {  	[hbm4b:s14+s2] =	stream.linear.scatter [tilespmem:s7], [sflag:$0x2], $0x10000, $0x38;
	[tilespmem:$0x10080] =	vst v63  }
0x2c: {  	_ =	swait.ge [sflag:s3], $0x10000  }
0x2d: {  	s15 =	sadd.s32 $0xFFFFFFFF, s31;
	[sflag:s3] =	ssyncset.done $0x0  }
.LBB2_1:
0x2e: {  	p0 =	sne.s32 s15, $0x1;
	s15 =	sadd.s32 $0xFFFFFFFF, s15;
	[sflag:s3] =	ssyncadd.s32 $0xFFFF0000  }
0x2f: {  	[tilespmem:s2], [sflag:$0x2] =	stream.linear.gather [hbm4b:s4+s2], $0x20, $0x38;
	[tilespmem:$0x10080] =	vst v63  }
0x30: {  	_ =	swait.ge [sflag:s3], $0x20  }
0x31: {  	[sflag:s3] =	ssyncset.done $0x0  }
0x32: {  	[sflag:s3] =	ssyncadd.s32 $0xFFFFFFE0  }
0x33: {  	[tilespmem:s7], [sflag:$0x1] =	stream.indirect.gather [hbm4b:s5+s6], $0x800, s2, s6, $0xb8;
	[tilespmem:$0x10080] =	vst v63  }
0x34: {  	_ =	swait.ge [sflag:s8], $0x10000  }
0x35: {  	[sflag:s8] =	ssyncset.done $0x0  }
0x36: {  	[sflag:s8] =	ssyncadd.s32 $0xFFFF0000  }
0x37: {  	[hbm4b:s9+s2] =	stream.linear.scatter [tilespmem:s7], [sflag:$0x2], $0x10000, $0x38;
	[tilespmem:$0x10080] =	vst v63  }
0x38: {  	_ =	swait.ge [sflag:s3], $0x10000  }
0x39: {  	[sflag:s3] =	ssyncset.done $0x0  }
0x3a: {  	[sflag:s3] =	ssyncadd.s32 $0xFFFF0000  }
0x3b: {  	[tilespmem:s7], [sflag:$0x1] =	stream.indirect.gather [hbm4b:s10+s6], $0x800, s2, s6, $0xb8;
	[tilespmem:$0x10080] =	vst v63  }
0x3c: {  	_ =	swait.ge [sflag:s8], $0x10000  }
0x3d: {  	[sflag:s8] =	ssyncset.done $0x0  }
0x3e: {  	[sflag:s8] =	ssyncadd.s32 $0xFFFF0000  }
0x3f: {  	[hbm4b:s11+s2] =	stream.linear.scatter [tilespmem:s7], [sflag:$0x2], $0x10000, $0x38;
	[tilespmem:$0x10080] =	vst v63  }
0x40: {  	_ =	swait.ge [sflag:s3], $0x10000  }
0x41: {  	[sflag:s3] =	ssyncset.done $0x0  }
0x42: {  	[sflag:s3] =	ssyncadd.s32 $0xFFFF0000  }
0x43: {  	[tilespmem:s2], [sflag:$0x2] =	stream.linear.gather [hbm4b:s12+s2], $0x20, $0x38;
	[tilespmem:$0x10080] =	vst v63  }
0x44: {  	_ =	swait.ge [sflag:s3], $0x20  }
0x45: {  	[sflag:s3] =	ssyncset.done $0x0  }
0x46: {  	[sflag:s3] =	ssyncadd.s32 $0xFFFFFFE0  }
0x47: {  	[tilespmem:s7], [sflag:$0x1] =	stream.indirect.gather [hbm4b:s5+s6], $0x800, s2, s6, $0xb8;
	[tilespmem:$0x10080] =	vst v63  }
0x48: {  	_ =	swait.ge [sflag:s8], $0x10000  }
0x49: {  	[sflag:s8] =	ssyncset.done $0x0  }
0x4a: {  	[sflag:s8] =	ssyncadd.s32 $0xFFFF0000  }
0x4b: {  	[hbm4b:s13+s2] =	stream.linear.scatter [tilespmem:s7], [sflag:$0x2], $0x10000, $0x38;
	[tilespmem:$0x10080] =	vst v63  }
0x4c: {  	_ =	swait.ge [sflag:s3], $0x10000  }
0x4d: {  	[sflag:s3] =	ssyncset.done $0x0  }
0x4e: {  	[sflag:s3] =	ssyncadd.s32 $0xFFFF0000  }
0x4f: {  	[tilespmem:s7], [sflag:$0x1] =	stream.indirect.gather [hbm4b:s10+s6], $0x800, s2, s6, $0xb8;
	[tilespmem:$0x10080] =	vst v63  }
0x50: {  	_ =	swait.ge [sflag:s8], $0x10000  }
.Ltmp1:
0x51: {  	[sflag:s8] =	ssyncset.done $0x0;
	(pc) =	sbr.rel @p0 .LBB2_1-.Ltmp1, $4  }
0x52: {  	[sflag:s8] =	ssyncadd.s32 $0xFFFF0000  }
0x53: {  	[hbm4b:s14+s2] =	stream.linear.scatter [tilespmem:s7], [sflag:$0x2], $0x10000, $0x38;
	[tilespmem:$0x10080] =	vst v63  }
0x54: {  	_ =	swait.ge [sflag:s3], $0x10000  }
0x55: {  	[sflag:s3] =	ssyncset.done $0x0  }
.LBB2_2:
0x56: {  	[sflag:s3] =	ssyncadd.s32 $0xFFFF0000  }
0x57: {  	_ =	sfence.sel $0x180000  }
0x58: {  	[bflag:$0x0] =	sbarrier.arrive $0xFFFF  }
0x59: {  	p0 =	sne.s32 s0, $0x0;
	_ =	strace $0x90000047  }
0x5a: {  	s0 =	sadd.s32 @!p0 $0x100000, s1;
	[bflag:$0x2] =	sbarrier.arrive $0xFFFF  }
0x5b: {  	[sflag:s0] =	ssyncadd.tile.s32 @!p0 $0x1;
	_ =	shalt  }
.Lfunc_end2:
_tile_overlayer_lowered:
.L_overlay_start_2:
0x5c: {  	(tag) =	ssettag $0x2  }
0x5d: {  	s0 =	rddreg [dreg:$0x0];
	s2 =	stileid.u32  }
0x5e: {  	s1 =	rddreg [dreg:$0x1];
	p0 =	sne.s32 s2, $0x0  }
0x5f: {  	s3 =	rddreg [dreg:$0x2];
	[bflag:$0x3] =	sbarrier.arrive $0xFFFF;
	s2 =	simm.s32 @!p0 $0x1C02  }
0x60: {  	[timem:s3], [sflag:s2] =	dma.local @!p0 [hbm:s0], s1  }
0x61: {  	s0 =	simm.s32 @!p0 $0x2  }
0x62: {  	_ =	swait.ge @!p0 [sflag:s0], s1  }
0x63: {  	s1 =	ssub.s32 @!p0 $0x0, s1;
	[sflag:s0] =	ssyncset.done @!p0 $0x0  }
0x64: {  	[sflag:s0] =	ssyncadd.s32 @!p0 s1  }
0x65: {  	[bflag:$0x3] =	sbarrier.arrive $0xFFFF  }
0x66: {  	_ =	shalt  }

</sc_bundles>
